<compile_context>
chip_gen: v7x
topology: tpu7x:2x2x1
jax: 0.10.2.dev20260603
libtpu: 0.0.44.dev20260713+nightly
codegen_flags: <defaults>
</compile_context>

<pallas_src>
import functools

import jax
import jax.numpy as jnp
from jax import lax
from jax.experimental import pallas as pl
from jax.experimental.pallas import tpu as pltpu
from jax.experimental.pallas import tpu_sc as plsc

EPS = 1e-10
NEG_LOG_EPS = 23.025850929940457

VP = 1024
LANES = 16

NC = 2
NS = 16
NW = NC * NS


def _neglog_block(tab_ref, out_ref, *, v: int):
    nl = -jnp.log(tab_ref[...])
    rr = jax.lax.broadcasted_iota(jnp.int32, (VP, VP), 0)
    cc = jax.lax.broadcasted_iota(jnp.int32, (VP, VP), 1)
    sentinel = jnp.where(cc < v, NEG_LOG_EPS, 0.0)
    out_ref[...] = jnp.where(rr == v, sentinel, nl)


def _codes_block(x_ref, len_ref, codes_ref, carry_ref, *, tb: int, v: int):
    b = pl.program_id(0)
    t = pl.program_id(1)

    x = x_ref[0]

    maxv = jnp.max(x, axis=-1, keepdims=True)
    lane = jax.lax.broadcasted_iota(jnp.int32, (tb, v), 1)
    amax = jnp.min(jnp.where(x == maxv, lane, v),
                   axis=-1, keepdims=True)

    prev = jnp.where(t == 0, 1, carry_ref[0])
    rolled = jnp.roll(amax, 1, axis=0)
    row = jax.lax.broadcasted_iota(jnp.int32, (tb, 1), 0)
    codes = jnp.where(row == 0, prev, rolled)
    carry_ref[0] = amax[tb - 1, 0]

    tpos = t * tb + row
    codes = jnp.where(tpos >= len_ref[b], v, codes)
    codes_ref[...] = codes.reshape(1, 1, tb)


def _sc_dot(x_hbm, codes_hbm, neglog_hbm, out_hbm,
            idx_all, xb0, xb1, rb0, rb1, acc_io,
            sx0, sx1, sr0, sr1,
            *, v: int, tpw: int, ch: int):
    nch = tpw // ch
    wid = lax.axis_index("s") * NC + lax.axis_index("c")
    base = wid * tpw
    xw = ch * v

    zero16 = jnp.zeros((LANES,), jnp.float32)

    pltpu.sync_copy(codes_hbm.at[pl.ds(base, tpw)], idx_all)

    for xb in (xb0, xb1):
        xb[pl.ds(xw, LANES)] = zero16
        xb[pl.ds(xw + LANES, LANES)] = zero16

    def issue(g, xb, rb, sx, sr):
        cx = pltpu.make_async_copy(
            x_hbm.at[pl.ds((base + g * ch) * v, xw)], xb.at[pl.ds(0, xw)], sx)
        cr = pltpu.make_async_copy(
            neglog_hbm.at[pl.ds(0, ch), :], rb, sr)
        cx.start()
        cr.start()

    def wait(g, xb, rb, sx, sr):
        pltpu.make_async_copy(
            x_hbm.at[pl.ds((base + g * ch) * v, xw)],
            xb.at[pl.ds(0, xw)], sx).wait()
        pltpu.make_async_copy(
            neglog_hbm.at[pl.ds(0, ch), :], rb, sr).wait()

    tok16 = lax.iota(jnp.int32, LANES)
    bx = tok16 * v
    z16 = jnp.zeros((LANES,), jnp.int32)

    def compute(g, xb, rb, accs):
        def col_body(i, accs):
            a0, a1, a2, a3 = accs
            c = i * 4
            a0 += (plsc.load_gather(xb, [bx + (c + 0)])
                   * plsc.load_gather(rb, [tok16, z16 + (c + 0)]))
            a1 += (plsc.load_gather(xb, [bx + (c + 1)])
                   * plsc.load_gather(rb, [tok16, z16 + (c + 1)]))
            a2 += (plsc.load_gather(xb, [bx + (c + 2)])
                   * plsc.load_gather(rb, [tok16, z16 + (c + 2)]))
            a3 += (plsc.load_gather(xb, [bx + (c + 3)])
                   * plsc.load_gather(rb, [tok16, z16 + (c + 3)]))
            return (a0, a1, a2, a3)

        return lax.fori_loop(0, 1, col_body, accs)

    issue(0, xb0, rb0, sx0, sr0)
    issue(1, xb1, rb1, sx1, sr1)

    def pair_body(g2, accs):
        g = 2 * g2
        wait(g, xb0, rb0, sx0, sr0)
        accs = compute(g, xb0, rb0, accs)
        issue(g + 2, xb0, rb0, sx0, sr0)
        wait(g + 1, xb1, rb1, sx1, sr1)
        accs = compute(g + 1, xb1, rb1, accs)
        issue(g + 3, xb1, rb1, sx1, sr1)
        return accs

    accs = lax.fori_loop(0, nch // 2 - 1, pair_body,
                         (zero16, zero16, zero16, zero16))
    g = nch - 2
    wait(g, xb0, rb0, sx0, sr0)
    accs = compute(g, xb0, rb0, accs)
    wait(g + 1, xb1, rb1, sx1, sr1)
    accs = compute(g + 1, xb1, rb1, accs)

    acc = (accs[0] + accs[1]) + (accs[2] + accs[3])
    acc_io[...] = acc
    pltpu.sync_copy(acc_io, out_hbm.at[wid])


def kernel(enc_prob, enc_len, ngram_table):
    B, T, V = enc_prob.shape
    TB = 256
    NT = T // TB

    lens = enc_len.astype(jnp.int32)
    tab_pad = jnp.pad(ngram_table, ((0, VP - V), (0, VP - V)),
                      constant_values=1.0)

    neglog = pl.pallas_call(
        functools.partial(_neglog_block, v=V),
        out_shape=jax.ShapeDtypeStruct((VP, VP), jnp.float32),
    )(tab_pad)

    codes3 = pl.pallas_call(
        functools.partial(_codes_block, tb=TB, v=V),
        grid=(B, NT),
        in_specs=[
            pl.BlockSpec((1, TB, V), lambda b, t: (b, t, 0)),
            pl.BlockSpec(memory_space=pltpu.SMEM),
        ],
        out_specs=pl.BlockSpec((1, 1, TB), lambda b, t: (b * NT + t, 0, 0)),
        out_shape=jax.ShapeDtypeStruct((B * NT, 1, TB), jnp.int32),
        scratch_shapes=[pltpu.SMEM((1,), jnp.int32)],
    )(enc_prob, lens)

    codes = codes3.reshape(B * T)
    x_flat = enc_prob.reshape(B * T * V)

    TPW = (B * T) // NW
    CH = 16

    mesh = plsc.VectorSubcoreMesh(core_axis_name="c", subcore_axis_name="s")
    parts = pl.kernel(
        functools.partial(_sc_dot, v=V, tpw=TPW, ch=CH),
        out_type=jax.ShapeDtypeStruct((NW, LANES), jnp.float32),
        mesh=mesh,
        compiler_params=pltpu.CompilerParams(use_tc_tiling_on_sc=False,
                                             needs_layout_passes=False),
        scratch_types=[
            pltpu.VMEM((TPW,), jnp.int32),
            pltpu.VMEM((CH * V + 2 * LANES,), jnp.float32),
            pltpu.VMEM((CH * V + 2 * LANES,), jnp.float32),
            pltpu.VMEM((CH, VP), jnp.float32),
            pltpu.VMEM((CH, VP), jnp.float32),
            pltpu.VMEM((LANES,), jnp.float32),
            pltpu.SemaphoreType.DMA,
            pltpu.SemaphoreType.DMA,
            pltpu.SemaphoreType.DMA,
            pltpu.SemaphoreType.DMA,
        ],
    )(x_flat, codes, neglog)

    w = 1.0 / (enc_len.astype(jnp.float32) * B)
    return jnp.sum(parts.reshape(B, 2, LANES) * w[:, None, None])

# --- scband reference (transcript-rebuilt; emitter-appended) ---
"""Pipeline reference for scband-ngram-prior-47047071760856 (READ-ONLY COPY).

The authoritative reference and input builder live on the scoring server;
editing this copy changes nothing except your own understanding.
"""

import jax, jax.numpy as jnp
import numpy as np

EPS = 1e-10
B, T, V = 16, 2048, 1000
N_GRAM = 2

def setup_inputs(seed: int = 0) -> dict:
    key = jax.random.key(seed)
    k1, k2, k3 = jax.random.split(key, 3)
    enc_prob = jax.random.uniform(k1, (B, T, V), dtype=jnp.float32)
    enc_prob = enc_prob / jnp.sum(enc_prob, axis=-1, keepdims=True)
    enc_len = jax.random.randint(k2, (B,), 1, T + 1, dtype=jnp.int64)
    # bigram distribution table: rows are contexts (previous token), cols are next-token probs.
    # Original loads from disk then adds EPS; we materialize a normalized random table.
    table = jax.random.uniform(k3, (V ** (N_GRAM - 1), V), dtype=jnp.float32)
    table = table / jnp.sum(table, axis=-1, keepdims=True) + EPS
    return {"enc_prob": enc_prob, "enc_len": enc_len, "ngram_table": table}

def reference(enc_prob, enc_len, ngram_table):
    Bb, Tt, Vv = enc_prob.shape
    # with torch.no_grad(): argmax codes
    code_index = jnp.argmax(jax.lax.stop_gradient(enc_prob), axis=-1)
    # prepend max(0, n_gram-2)=0 zeros and a single BOS=1 token, drop last
    code = jnp.concatenate([
        jnp.zeros((Bb, max(0, N_GRAM - 2)), dtype=code_index.dtype),
        jnp.ones((Bb, 1), dtype=code_index.dtype),
        code_index[:, :-1],
    ], axis=-1)
    # Conv1d with kernel (n-1) and weights v**(n-2-i); for n_gram=2 this is a
    # size-1 kernel with weight v**0 = 1, i.e. identity on the code sequence.
    weights = jnp.array([Vv ** (N_GRAM - 2 - i) for i in range(N_GRAM - 1)], dtype=jnp.float32)
    # sliding window dot product (valid conv) over length-(n-1) windows
    windows = jnp.stack([code[:, i: code.shape[1] - (N_GRAM - 1) + 1 + i] for i in range(N_GRAM - 1)], axis=-1)
    ngram_idx = jnp.sum(windows.astype(jnp.float32) * weights, axis=-1).astype(jnp.int32)
    # embedding gather: [B, T, V] rows from the n-gram distribution table
    prior_prob = jnp.take(ngram_table, ngram_idx, axis=0)
    # sequence mask: True where t >= enc_len (padding)
    mask = jnp.arange(Tt)[None, :] >= enc_len[:, None]
    prior_prob = jnp.where(mask[:, :, None], EPS, prior_prob)
    lens = enc_len.astype(jnp.float32)
    # reduction == 'token'
    kld = -jnp.sum(enc_prob * jnp.log(prior_prob), axis=-1)
    kld = jnp.sum(kld, axis=-1) / lens
    kld = jnp.mean(kld)
    return kld

if __name__ == "__main__":
    import jax
    _d = setup_inputs()
    print(jax.jit(kernel)(*tuple(_d.values())))

</pallas_src>

<mosaic_0001>
#map = affine_map<(d0, d1) -> (0)>
#map1 = affine_map<(d0, d1) -> (0, 0)>
module attributes {stable_mosaic.version = 14 : i64} {
  func.func @_sc_dot(%arg0: i32, %arg1: i32, %arg2: memref<32768000xf32, #tpu.memory_space<hbm>>, %arg3: memref<32768xi32, #tpu.memory_space<hbm>>, %arg4: memref<1024x1024xf32, #tpu.memory_space<hbm>>, %arg5: memref<32x16xf32, #tpu.memory_space<hbm>>, %arg6: memref<1024xi32, #tpu.memory_space<vmem>>, %arg7: memref<16032xf32, #tpu.memory_space<vmem>>, %arg8: memref<16032xf32, #tpu.memory_space<vmem>>, %arg9: memref<16x1024xf32, #tpu.memory_space<vmem>>, %arg10: memref<16x1024xf32, #tpu.memory_space<vmem>>, %arg11: memref<16xf32, #tpu.memory_space<vmem>>, %arg12: memref<!tpu.dma_semaphore, #tpu.memory_space<semaphore_mem>>, %arg13: memref<!tpu.dma_semaphore, #tpu.memory_space<semaphore_mem>>, %arg14: memref<!tpu.dma_semaphore, #tpu.memory_space<semaphore_mem>>, %arg15: memref<!tpu.dma_semaphore, #tpu.memory_space<semaphore_mem>>) attributes {dimension_semantics = [#tpu.dimension_semantics<core_parallel>, #tpu.dimension_semantics<subcore_parallel>], iteration_bounds = array<i64: 2, 16>, scalar_prefetch = 0 : i64, scratch_operands = 10 : i64, tpu.core_type = #tpu.core_type<sc_vector_subcore>, window_params = [{transform_indices = #map}, {transform_indices = #map}, {transform_indices = #map1}, {transform_indices = #map1}]} {
    %mul3A = arith.constant 2 : i32
    %mul3A_0 = arith.muli %arg1, %mul3A : i32
    %add3A = arith.addi %mul3A_0, %arg0 : i32
    %mul3A_1 = arith.constant 1024 : i32
    %mul3A_2 = arith.muli %add3A, %mul3A_1 : i32
    %broadcast_in_dim3A = arith.constant 0.000000e+00 : f32
    %broadcast_in_dim3A_3 = vector.broadcast %broadcast_in_dim3A : f32 to vector<16xf32>
    "tpu.region"() ({
      %run_scoped3A = tpu.sem_alloc : memref<!tpu.dma_semaphore, #tpu.memory_space<semaphore_mem>>
      %dma_start3A_191 = tpu.memref_slice %arg3[%mul3A_2] : memref<32768xi32, #tpu.memory_space<hbm>> -> memref<1024xi32, #tpu.memory_space<hbm>>
      %dma_start3A_192 = tpu.memref_slice %arg3[%mul3A_2] : memref<32768xi32, #tpu.memory_space<hbm>> -> memref<1024xi32, #tpu.memory_space<hbm>>
      tpu.enqueue_dma source(%dma_start3A_192 : memref<1024xi32, #tpu.memory_space<hbm>>) target(%arg6 : memref<1024xi32, #tpu.memory_space<vmem>>) target_semaphore(%run_scoped3A : memref<!tpu.dma_semaphore, #tpu.memory_space<semaphore_mem>>)
      %dma_wait3A_193 = tpu.memref_slice %arg3[%mul3A_2] : memref<32768xi32, #tpu.memory_space<hbm>> -> memref<1024xi32, #tpu.memory_space<hbm>>
      %dma_wait3A_194 = tpu.memref_slice %arg3[%mul3A_2] : memref<32768xi32, #tpu.memory_space<hbm>> -> memref<1024xi32, #tpu.memory_space<hbm>>
      tpu.wait_dma2 semaphore(%run_scoped3A : memref<!tpu.dma_semaphore, #tpu.memory_space<semaphore_mem>>) src(%dma_wait3A_194 : memref<1024xi32, #tpu.memory_space<hbm>>) dst(%arg6 : memref<1024xi32, #tpu.memory_space<vmem>>)
      tpu.yield
    }) : () -> ()
    %swap3A = arith.constant 16000 : index
    %swap3A_4 = tpu.vector_load %arg7[%swap3A] {strides = array<i32>} : memref<16032xf32, #tpu.memory_space<vmem>>, vector<16xf32>,
    tpu.vector_store %arg7[%swap3A], %broadcast_in_dim3A_3 {strides = array<i32>} : memref<16032xf32, #tpu.memory_space<vmem>>, vector<16xf32>,
    %swap3A_5 = arith.constant 16016 : index
    %swap3A_6 = tpu.vector_load %arg7[%swap3A_5] {strides = array<i32>} : memref<16032xf32, #tpu.memory_space<vmem>>, vector<16xf32>,
    tpu.vector_store %arg7[%swap3A_5], %broadcast_in_dim3A_3 {strides = array<i32>} : memref<16032xf32, #tpu.memory_space<vmem>>, vector<16xf32>,
    %swap3A_7 = arith.constant 16000 : index
    %swap3A_8 = tpu.vector_load %arg8[%swap3A_7] {strides = array<i32>} : memref<16032xf32, #tpu.memory_space<vmem>>, vector<16xf32>,
    tpu.vector_store %arg8[%swap3A_7], %broadcast_in_dim3A_3 {strides = array<i32>} : memref<16032xf32, #tpu.memory_space<vmem>>, vector<16xf32>,
    %swap3A_9 = arith.constant 16016 : index
    %swap3A_10 = tpu.vector_load %arg8[%swap3A_9] {strides = array<i32>} : memref<16032xf32, #tpu.memory_space<vmem>>, vector<16xf32>,
    tpu.vector_store %arg8[%swap3A_9], %broadcast_in_dim3A_3 {strides = array<i32>} : memref<16032xf32, #tpu.memory_space<vmem>>, vector<16xf32>,
    %iota3A = tpu.iota {dimensions = array<i32: 0>} : vector<16xi32>
    %mul3A_11 = arith.constant 1000 : i32
    %mul3A_12 = vector.broadcast %mul3A_11 : i32 to vector<16xi32>
    %mul3A_13 = arith.muli %iota3A, %mul3A_12 : vector<16xi32>
    %broadcast_in_dim3A_14 = arith.constant 0 : i32
    %broadcast_in_dim3A_15 = vector.broadcast %broadcast_in_dim3A_14 : i32 to vector<16xi32>
    %add3A_16 = arith.constant 0 : i32
    %add3A_17 = arith.addi %mul3A_2, %add3A_16 : i32
    %mul3A_18 = arith.constant 1000 : i32
    %mul3A_19 = arith.muli %add3A_17, %mul3A_18 : i32
    %dma_start3A = arith.constant 0 : i32
    %dma_start3A_20 = tpu.memref_slice %arg7[%dma_start3A] : memref<16032xf32, #tpu.memory_space<vmem>> -> memref<16000xf32, #tpu.memory_space<vmem>>
    %dma_start3A_21 = tpu.memref_slice %arg2[%mul3A_19] : memref<32768000xf32, #tpu.memory_space<hbm>> -> memref<16000xf32, #tpu.memory_space<hbm>>
    %dma_start3A_22 = arith.constant 0 : i32
    %dma_start3A_23 = tpu.memref_slice %arg7[%dma_start3A_22] : memref<16032xf32, #tpu.memory_space<vmem>> -> memref<16000xf32, #tpu.memory_space<vmem>>
    %dma_start3A_24 = tpu.memref_slice %arg2[%mul3A_19] : memref<32768000xf32, #tpu.memory_space<hbm>> -> memref<16000xf32, #tpu.memory_space<hbm>>
    tpu.enqueue_dma source(%dma_start3A_24 : memref<16000xf32, #tpu.memory_space<hbm>>) target(%dma_start3A_23 : memref<16000xf32, #tpu.memory_space<vmem>>) target_semaphore(%arg12 : memref<!tpu.dma_semaphore, #tpu.memory_space<semaphore_mem>>)
    %dma_start3A_25 = arith.constant 0 : i32
    %dma_start3A_26 = arith.constant 0 : i32
    %dma_start3A_27 = tpu.memref_slice %arg4[%dma_start3A_25, %dma_start3A_26] : memref<1024x1024xf32, #tpu.memory_space<hbm>> -> memref<16x1024xf32, #tpu.memory_space<hbm>>
    %dma_start3A_28 = arith.constant 0 : i32
    %dma_start3A_29 = arith.constant 0 : i32
    %dma_start3A_30 = tpu.memref_slice %arg4[%dma_start3A_28, %dma_start3A_29] : memref<1024x1024xf32, #tpu.memory_space<hbm>> -> memref<16x1024xf32, #tpu.memory_space<hbm>>
    tpu.enqueue_dma source(%dma_start3A_30 : memref<16x1024xf32, #tpu.memory_space<hbm>>) target(%arg9 : memref<16x1024xf32, #tpu.memory_space<vmem>>) target_semaphore(%arg14 : memref<!tpu.dma_semaphore, #tpu.memory_space<semaphore_mem>>)
    %add3A_31 = arith.constant 16 : i32
    %add3A_32 = arith.addi %mul3A_2, %add3A_31 : i32
    %mul3A_33 = arith.constant 1000 : i32
    %mul3A_34 = arith.muli %add3A_32, %mul3A_33 : i32
    %dma_start3A_35 = arith.constant 0 : i32
    %dma_start3A_36 = tpu.memref_slice %arg8[%dma_start3A_35] : memref<16032xf32, #tpu.memory_space<vmem>> -> memref<16000xf32, #tpu.memory_space<vmem>>
    %dma_start3A_37 = tpu.memref_slice %arg2[%mul3A_34] : memref<32768000xf32, #tpu.memory_space<hbm>> -> memref<16000xf32, #tpu.memory_space<hbm>>
    %dma_start3A_38 = arith.constant 0 : i32
    %dma_start3A_39 = tpu.memref_slice %arg8[%dma_start3A_38] : memref<16032xf32, #tpu.memory_space<vmem>> -> memref<16000xf32, #tpu.memory_space<vmem>>
    %dma_start3A_40 = tpu.memref_slice %arg2[%mul3A_34] : memref<32768000xf32, #tpu.memory_space<hbm>> -> memref<16000xf32, #tpu.memory_space<hbm>>
    tpu.enqueue_dma source(%dma_start3A_40 : memref<16000xf32, #tpu.memory_space<hbm>>) target(%dma_start3A_39 : memref<16000xf32, #tpu.memory_space<vmem>>) target_semaphore(%arg13 : memref<!tpu.dma_semaphore, #tpu.memory_space<semaphore_mem>>)
    %dma_start3A_41 = arith.constant 0 : i32
    %dma_start3A_42 = arith.constant 0 : i32
    %dma_start3A_43 = tpu.memref_slice %arg4[%dma_start3A_41, %dma_start3A_42] : memref<1024x1024xf32, #tpu.memory_space<hbm>> -> memref<16x1024xf32, #tpu.memory_space<hbm>>
    %dma_start3A_44 = arith.constant 0 : i32
    %dma_start3A_45 = arith.constant 0 : i32
    %dma_start3A_46 = tpu.memref_slice %arg4[%dma_start3A_44, %dma_start3A_45] : memref<1024x1024xf32, #tpu.memory_space<hbm>> -> memref<16x1024xf32, #tpu.memory_space<hbm>>
    tpu.enqueue_dma source(%dma_start3A_46 : memref<16x1024xf32, #tpu.memory_space<hbm>>) target(%arg10 : memref<16x1024xf32, #tpu.memory_space<vmem>>) target_semaphore(%arg15 : memref<!tpu.dma_semaphore, #tpu.memory_space<semaphore_mem>>)
    %scan3A = arith.constant 0 : i32
    %scan3A_47 = arith.constant 31 : i32
    %scan3A_48 = arith.addi %scan3A, %scan3A_47 : i32
    %scan3A_49 = arith.constant 1 : i32
    %scan3A_50:4 = scf.for %scan3A_191 = %scan3A to %scan3A_48 step %scan3A_49 iter_args(%scan3A_192 = %broadcast_in_dim3A_3, %scan3A_193 = %broadcast_in_dim3A_3, %scan3A_194 = %broadcast_in_dim3A_3, %scan3A_195 = %broadcast_in_dim3A_3) -> (vector<16xf32>, vector<16xf32>, vector<16xf32>, vector<16xf32>)  : i32 {
      %mul3A_196 = arith.constant 2 : i32
      %mul3A_197 = arith.muli %mul3A_196, %scan3A_191 : i32
      %mul3A_198 = arith.constant 16 : i32
      %mul3A_199 = arith.muli %mul3A_197, %mul3A_198 : i32
      %add3A_200 = arith.addi %mul3A_2, %mul3A_199 : i32
      %mul3A_201 = arith.constant 1000 : i32
      %mul3A_202 = arith.muli %add3A_200, %mul3A_201 : i32
      %dma_wait3A_203 = arith.constant 0 : i32
      %dma_wait3A_204 = tpu.memref_slice %arg7[%dma_wait3A_203] : memref<16032xf32, #tpu.memory_space<vmem>> -> memref<16000xf32, #tpu.memory_space<vmem>>
      %dma_wait3A_205 = tpu.memref_slice %arg2[%mul3A_202] : memref<32768000xf32, #tpu.memory_space<hbm>> -> memref<16000xf32, #tpu.memory_space<hbm>>
      %dma_wait3A_206 = arith.constant 0 : i32
      %dma_wait3A_207 = tpu.memref_slice %arg7[%dma_wait3A_206] : memref<16032xf32, #tpu.memory_space<vmem>> -> memref<16000xf32, #tpu.memory_space<vmem>>
      %dma_wait3A_208 = tpu.memref_slice %arg2[%mul3A_202] : memref<32768000xf32, #tpu.memory_space<hbm>> -> memref<16000xf32, #tpu.memory_space<hbm>>
      tpu.wait_dma2 semaphore(%arg12 : memref<!tpu.dma_semaphore, #tpu.memory_space<semaphore_mem>>) src(%dma_wait3A_208 : memref<16000xf32, #tpu.memory_space<hbm>>) dst(%dma_wait3A_207 : memref<16000xf32, #tpu.memory_space<vmem>>)
      %dma_wait3A_209 = arith.constant 0 : i32
      %dma_wait3A_210 = arith.constant 0 : i32
      %dma_wait3A_211 = tpu.memref_slice %arg4[%dma_wait3A_209, %dma_wait3A_210] : memref<1024x1024xf32, #tpu.memory_space<hbm>> -> memref<16x1024xf32, #tpu.memory_space<hbm>>
      %dma_wait3A_212 = arith.constant 0 : i32
      %dma_wait3A_213 = arith.constant 0 : i32
      %dma_wait3A_214 = tpu.memref_slice %arg4[%dma_wait3A_212, %dma_wait3A_213] : memref<1024x1024xf32, #tpu.memory_space<hbm>> -> memref<16x1024xf32, #tpu.memory_space<hbm>>
      tpu.wait_dma2 semaphore(%arg14 : memref<!tpu.dma_semaphore, #tpu.memory_space<semaphore_mem>>) src(%dma_wait3A_214 : memref<16x1024xf32, #tpu.memory_space<hbm>>) dst(%arg9 : memref<16x1024xf32, #tpu.memory_space<vmem>>)
      %scan3A_215 = arith.constant 0 : i32
      %mul3A_216 = arith.constant 4 : i32
      %mul3A_217 = arith.muli %scan3A_215, %mul3A_216 : i32
      %add3A_218 = arith.constant 0 : i32
      %add3A_219 = arith.addi %mul3A_217, %add3A_218 : i32
      %add3A_220 = vector.broadcast %add3A_219 : i32 to vector<16xi32>
      %add3A_221 = arith.addi %mul3A_13, %add3A_220 : vector<16xi32>
      %gather3A_222 = tpu.vector_load_idx %arg7[%add3A_221] : memref<16032xf32, #tpu.memory_space<vmem>>[vector<16xi32>], vector<16xf32>,
      %add3A_223 = arith.constant 0 : i32
      %add3A_224 = arith.addi %mul3A_217, %add3A_223 : i32
      %add3A_225 = vector.broadcast %add3A_224 : i32 to vector<16xi32>
      %add3A_226 = arith.addi %broadcast_in_dim3A_15, %add3A_225 : vector<16xi32>
      %gather3A_227 = tpu.vector_load_idx %arg9[%iota3A, %add3A_226] : memref<16x1024xf32, #tpu.memory_space<vmem>>[vector<16xi32>, vector<16xi32>], vector<16xf32>,
      %mul3A_228 = arith.mulf %gather3A_222, %gather3A_227 : vector<16xf32>
      %add3A_229 = arith.addf %scan3A_192, %mul3A_228 : vector<16xf32>
      %add3A_230 = arith.constant 1 : i32
      %add3A_231 = arith.addi %mul3A_217, %add3A_230 : i32
      %add3A_232 = vector.broadcast %add3A_231 : i32 to vector<16xi32>
      %add3A_233 = arith.addi %mul3A_13, %add3A_232 : vector<16xi32>
      %gather3A_234 = tpu.vector_load_idx %arg7[%add3A_233] : memref<16032xf32, #tpu.memory_space<vmem>>[vector<16xi32>], vector<16xf32>,
      %add3A_235 = arith.constant 1 : i32
      %add3A_236 = arith.addi %mul3A_217, %add3A_235 : i32
      %add3A_237 = vector.broadcast %add3A_236 : i32 to vector<16xi32>
      %add3A_238 = arith.addi %broadcast_in_dim3A_15, %add3A_237 : vector<16xi32>
      %gather3A_239 = tpu.vector_load_idx %arg9[%iota3A, %add3A_238] : memref<16x1024xf32, #tpu.memory_space<vmem>>[vector<16xi32>, vector<16xi32>], vector<16xf32>,
      %mul3A_240 = arith.mulf %gather3A_234, %gather3A_239 : vector<16xf32>
      %add3A_241 = arith.addf %scan3A_193, %mul3A_240 : vector<16xf32>
      %add3A_242 = arith.constant 2 : i32
      %add3A_243 = arith.addi %mul3A_217, %add3A_242 : i32
      %add3A_244 = vector.broadcast %add3A_243 : i32 to vector<16xi32>
      %add3A_245 = arith.addi %mul3A_13, %add3A_244 : vector<16xi32>
      %gather3A_246 = tpu.vector_load_idx %arg7[%add3A_245] : memref<16032xf32, #tpu.memory_space<vmem>>[vector<16xi32>], vector<16xf32>,
      %add3A_247 = arith.constant 2 : i32
      %add3A_248 = arith.addi %mul3A_217, %add3A_247 : i32
      %add3A_249 = vector.broadcast %add3A_248 : i32 to vector<16xi32>
      %add3A_250 = arith.addi %broadcast_in_dim3A_15, %add3A_249 : vector<16xi32>
      %gather3A_251 = tpu.vector_load_idx %arg9[%iota3A, %add3A_250] : memref<16x1024xf32, #tpu.memory_space<vmem>>[vector<16xi32>, vector<16xi32>], vector<16xf32>,
      %mul3A_252 = arith.mulf %gather3A_246, %gather3A_251 : vector<16xf32>
      %add3A_253 = arith.addf %scan3A_194, %mul3A_252 : vector<16xf32>
      %add3A_254 = arith.constant 3 : i32
      %add3A_255 = arith.addi %mul3A_217, %add3A_254 : i32
      %add3A_256 = vector.broadcast %add3A_255 : i32 to vector<16xi32>
      %add3A_257 = arith.addi %mul3A_13, %add3A_256 : vector<16xi32>
      %gather3A_258 = tpu.vector_load_idx %arg7[%add3A_257] : memref<16032xf32, #tpu.memory_space<vmem>>[vector<16xi32>], vector<16xf32>,
      %add3A_259 = arith.constant 3 : i32
      %add3A_260 = arith.addi %mul3A_217, %add3A_259 : i32
      %add3A_261 = vector.broadcast %add3A_260 : i32 to vector<16xi32>
      %add3A_262 = arith.addi %broadcast_in_dim3A_15, %add3A_261 : vector<16xi32>
      %gather3A_263 = tpu.vector_load_idx %arg9[%iota3A, %add3A_262] : memref<16x1024xf32, #tpu.memory_space<vmem>>[vector<16xi32>, vector<16xi32>], vector<16xf32>,
      %mul3A_264 = arith.mulf %gather3A_258, %gather3A_263 : vector<16xf32>
      %add3A_265 = arith.addf %scan3A_195, %mul3A_264 : vector<16xf32>
      %scan3A_266 = arith.constant 1 : i32
      %add3A_267 = arith.constant 2 : i32
      %add3A_268 = arith.addi %mul3A_197, %add3A_267 : i32
      %mul3A_269 = arith.constant 16 : i32
      %mul3A_270 = arith.muli %add3A_268, %mul3A_269 : i32
      %add3A_271 = arith.addi %mul3A_2, %mul3A_270 : i32
      %mul3A_272 = arith.constant 1000 : i32
      %mul3A_273 = arith.muli %add3A_271, %mul3A_272 : i32
      %dma_start3A_274 = arith.constant 0 : i32
      %dma_start3A_275 = tpu.memref_slice %arg7[%dma_start3A_274] : memref<16032xf32, #tpu.memory_space<vmem>> -> memref<16000xf32, #tpu.memory_space<vmem>>
      %dma_start3A_276 = tpu.memref_slice %arg2[%mul3A_273] : memref<32768000xf32, #tpu.memory_space<hbm>> -> memref<16000xf32, #tpu.memory_space<hbm>>
      %dma_start3A_277 = arith.constant 0 : i32
      %dma_start3A_278 = tpu.memref_slice %arg7[%dma_start3A_277] : memref<16032xf32, #tpu.memory_space<vmem>> -> memref<16000xf32, #tpu.memory_space<vmem>>
      %dma_start3A_279 = tpu.memref_slice %arg2[%mul3A_273] : memref<32768000xf32, #tpu.memory_space<hbm>> -> memref<16000xf32, #tpu.memory_space<hbm>>
      tpu.enqueue_dma source(%dma_start3A_279 : memref<16000xf32, #tpu.memory_space<hbm>>) target(%dma_start3A_278 : memref<16000xf32, #tpu.memory_space<vmem>>) target_semaphore(%arg12 : memref<!tpu.dma_semaphore, #tpu.memory_space<semaphore_mem>>)
      %dma_start3A_280 = arith.constant 0 : i32
      %dma_start3A_281 = arith.constant 0 : i32
      %dma_start3A_282 = tpu.memref_slice %arg4[%dma_start3A_280, %dma_start3A_281] : memref<1024x1024xf32, #tpu.memory_space<hbm>> -> memref<16x1024xf32, #tpu.memory_space<hbm>>
      %dma_start3A_283 = arith.constant 0 : i32
      %dma_start3A_284 = arith.constant 0 : i32
      %dma_start3A_285 = tpu.memref_slice %arg4[%dma_start3A_283, %dma_start3A_284] : memref<1024x1024xf32, #tpu.memory_space<hbm>> -> memref<16x1024xf32, #tpu.memory_space<hbm>>
      tpu.enqueue_dma source(%dma_start3A_285 : memref<16x1024xf32, #tpu.memory_space<hbm>>) target(%arg9 : memref<16x1024xf32, #tpu.memory_space<vmem>>) target_semaphore(%arg14 : memref<!tpu.dma_semaphore, #tpu.memory_space<semaphore_mem>>)
      %add3A_286 = arith.constant 1 : i32
      %add3A_287 = arith.addi %mul3A_197, %add3A_286 : i32
      %mul3A_288 = arith.constant 16 : i32
      %mul3A_289 = arith.muli %add3A_287, %mul3A_288 : i32
      %add3A_290 = arith.addi %mul3A_2, %mul3A_289 : i32
      %mul3A_291 = arith.constant 1000 : i32
      %mul3A_292 = arith.muli %add3A_290, %mul3A_291 : i32
      %dma_wait3A_293 = arith.constant 0 : i32
      %dma_wait3A_294 = tpu.memref_slice %arg8[%dma_wait3A_293] : memref<16032xf32, #tpu.memory_space<vmem>> -> memref<16000xf32, #tpu.memory_space<vmem>>
      %dma_wait3A_295 = tpu.memref_slice %arg2[%mul3A_292] : memref<32768000xf32, #tpu.memory_space<hbm>> -> memref<16000xf32, #tpu.memory_space<hbm>>
      %dma_wait3A_296 = arith.constant 0 : i32
      %dma_wait3A_297 = tpu.memref_slice %arg8[%dma_wait3A_296] : memref<16032xf32, #tpu.memory_space<vmem>> -> memref<16000xf32, #tpu.memory_space<vmem>>
      %dma_wait3A_298 = tpu.memref_slice %arg2[%mul3A_292] : memref<32768000xf32, #tpu.memory_space<hbm>> -> memref<16000xf32, #tpu.memory_space<hbm>>
      tpu.wait_dma2 semaphore(%arg13 : memref<!tpu.dma_semaphore, #tpu.memory_space<semaphore_mem>>) src(%dma_wait3A_298 : memref<16000xf32, #tpu.memory_space<hbm>>) dst(%dma_wait3A_297 : memref<16000xf32, #tpu.memory_space<vmem>>)
      %dma_wait3A_299 = arith.constant 0 : i32
      %dma_wait3A_300 = arith.constant 0 : i32
      %dma_wait3A_301 = tpu.memref_slice %arg4[%dma_wait3A_299, %dma_wait3A_300] : memref<1024x1024xf32, #tpu.memory_space<hbm>> -> memref<16x1024xf32, #tpu.memory_space<hbm>>
      %dma_wait3A_302 = arith.constant 0 : i32
      %dma_wait3A_303 = arith.constant 0 : i32
      %dma_wait3A_304 = tpu.memref_slice %arg4[%dma_wait3A_302, %dma_wait3A_303] : memref<1024x1024xf32, #tpu.memory_space<hbm>> -> memref<16x1024xf32, #tpu.memory_space<hbm>>
      tpu.wait_dma2 semaphore(%arg15 : memref<!tpu.dma_semaphore, #tpu.memory_space<semaphore_mem>>) src(%dma_wait3A_304 : memref<16x1024xf32, #tpu.memory_space<hbm>>) dst(%arg10 : memref<16x1024xf32, #tpu.memory_space<vmem>>)
      %add3A_305 = arith.constant 1 : i32
      %add3A_306 = arith.addi %mul3A_197, %add3A_305 : i32
      %scan3A_307 = arith.constant 0 : i32
      %mul3A_308 = arith.constant 4 : i32
      %mul3A_309 = arith.muli %scan3A_307, %mul3A_308 : i32
      %add3A_310 = arith.constant 0 : i32
      %add3A_311 = arith.addi %mul3A_309, %add3A_310 : i32
      %add3A_312 = vector.broadcast %add3A_311 : i32 to vector<16xi32>
      %add3A_313 = arith.addi %mul3A_13, %add3A_312 : vector<16xi32>
      %gather3A_314 = tpu.vector_load_idx %arg8[%add3A_313] : memref<16032xf32, #tpu.memory_space<vmem>>[vector<16xi32>], vector<16xf32>,
      %add3A_315 = arith.constant 0 : i32
      %add3A_316 = arith.addi %mul3A_309, %add3A_315 : i32
      %add3A_317 = vector.broadcast %add3A_316 : i32 to vector<16xi32>
      %add3A_318 = arith.addi %broadcast_in_dim3A_15, %add3A_317 : vector<16xi32>
      %gather3A_319 = tpu.vector_load_idx %arg10[%iota3A, %add3A_318] : memref<16x1024xf32, #tpu.memory_space<vmem>>[vector<16xi32>, vector<16xi32>], vector<16xf32>,
      %mul3A_320 = arith.mulf %gather3A_314, %gather3A_319 : vector<16xf32>
      %add3A_321 = arith.addf %add3A_229, %mul3A_320 : vector<16xf32>
      %add3A_322 = arith.constant 1 : i32
      %add3A_323 = arith.addi %mul3A_309, %add3A_322 : i32
      %add3A_324 = vector.broadcast %add3A_323 : i32 to vector<16xi32>
      %add3A_325 = arith.addi %mul3A_13, %add3A_324 : vector<16xi32>
      %gather3A_326 = tpu.vector_load_idx %arg8[%add3A_325] : memref<16032xf32, #tpu.memory_space<vmem>>[vector<16xi32>], vector<16xf32>,
      %add3A_327 = arith.constant 1 : i32
      %add3A_328 = arith.addi %mul3A_309, %add3A_327 : i32
      %add3A_329 = vector.broadcast %add3A_328 : i32 to vector<16xi32>
      %add3A_330 = arith.addi %broadcast_in_dim3A_15, %add3A_329 : vector<16xi32>
      %gather3A_331 = tpu.vector_load_idx %arg10[%iota3A, %add3A_330] : memref<16x1024xf32, #tpu.memory_space<vmem>>[vector<16xi32>, vector<16xi32>], vector<16xf32>,
      %mul3A_332 = arith.mulf %gather3A_326, %gather3A_331 : vector<16xf32>
      %add3A_333 = arith.addf %add3A_241, %mul3A_332 : vector<16xf32>
      %add3A_334 = arith.constant 2 : i32
      %add3A_335 = arith.addi %mul3A_309, %add3A_334 : i32
      %add3A_336 = vector.broadcast %add3A_335 : i32 to vector<16xi32>
      %add3A_337 = arith.addi %mul3A_13, %add3A_336 : vector<16xi32>
      %gather3A_338 = tpu.vector_load_idx %arg8[%add3A_337] : memref<16032xf32, #tpu.memory_space<vmem>>[vector<16xi32>], vector<16xf32>,
      %add3A_339 = arith.constant 2 : i32
      %add3A_340 = arith.addi %mul3A_309, %add3A_339 : i32
      %add3A_341 = vector.broadcast %add3A_340 : i32 to vector<16xi32>
      %add3A_342 = arith.addi %broadcast_in_dim3A_15, %add3A_341 : vector<16xi32>
      %gather3A_343 = tpu.vector_load_idx %arg10[%iota3A, %add3A_342] : memref<16x1024xf32, #tpu.memory_space<vmem>>[vector<16xi32>, vector<16xi32>], vector<16xf32>,
      %mul3A_344 = arith.mulf %gather3A_338, %gather3A_343 : vector<16xf32>
      %add3A_345 = arith.addf %add3A_253, %mul3A_344 : vector<16xf32>
      %add3A_346 = arith.constant 3 : i32
      %add3A_347 = arith.addi %mul3A_309, %add3A_346 : i32
      %add3A_348 = vector.broadcast %add3A_347 : i32 to vector<16xi32>
      %add3A_349 = arith.addi %mul3A_13, %add3A_348 : vector<16xi32>
      %gather3A_350 = tpu.vector_load_idx %arg8[%add3A_349] : memref<16032xf32, #tpu.memory_space<vmem>>[vector<16xi32>], vector<16xf32>,
      %add3A_351 = arith.constant 3 : i32
      %add3A_352 = arith.addi %mul3A_309, %add3A_351 : i32
      %add3A_353 = vector.broadcast %add3A_352 : i32 to vector<16xi32>
      %add3A_354 = arith.addi %broadcast_in_dim3A_15, %add3A_353 : vector<16xi32>
      %gather3A_355 = tpu.vector_load_idx %arg10[%iota3A, %add3A_354] : memref<16x1024xf32, #tpu.memory_space<vmem>>[vector<16xi32>, vector<16xi32>], vector<16xf32>,
      %mul3A_356 = arith.mulf %gather3A_350, %gather3A_355 : vector<16xf32>
      %add3A_357 = arith.addf %add3A_265, %mul3A_356 : vector<16xf32>
      %scan3A_358 = arith.constant 1 : i32
      %add3A_359 = arith.constant 3 : i32
      %add3A_360 = arith.addi %mul3A_197, %add3A_359 : i32
      %mul3A_361 = arith.constant 16 : i32
      %mul3A_362 = arith.muli %add3A_360, %mul3A_361 : i32
      %add3A_363 = arith.addi %mul3A_2, %mul3A_362 : i32
      %mul3A_364 = arith.constant 1000 : i32
      %mul3A_365 = arith.muli %add3A_363, %mul3A_364 : i32
      %dma_start3A_366 = arith.constant 0 : i32
      %dma_start3A_367 = tpu.memref_slice %arg8[%dma_start3A_366] : memref<16032xf32, #tpu.memory_space<vmem>> -> memref<16000xf32, #tpu.memory_space<vmem>>
      %dma_start3A_368 = tpu.memref_slice %arg2[%mul3A_365] : memref<32768000xf32, #tpu.memory_space<hbm>> -> memref<16000xf32, #tpu.memory_space<hbm>>
      %dma_start3A_369 = arith.constant 0 : i32
      %dma_start3A_370 = tpu.memref_slice %arg8[%dma_start3A_369] : memref<16032xf32, #tpu.memory_space<vmem>> -> memref<16000xf32, #tpu.memory_space<vmem>>
      %dma_start3A_371 = tpu.memref_slice %arg2[%mul3A_365] : memref<32768000xf32, #tpu.memory_space<hbm>> -> memref<16000xf32, #tpu.memory_space<hbm>>
      tpu.enqueue_dma source(%dma_start3A_371 : memref<16000xf32, #tpu.memory_space<hbm>>) target(%dma_start3A_370 : memref<16000xf32, #tpu.memory_space<vmem>>) target_semaphore(%arg13 : memref<!tpu.dma_semaphore, #tpu.memory_space<semaphore_mem>>)
      %dma_start3A_372 = arith.constant 0 : i32
      %dma_start3A_373 = arith.constant 0 : i32
      %dma_start3A_374 = tpu.memref_slice %arg4[%dma_start3A_372, %dma_start3A_373] : memref<1024x1024xf32, #tpu.memory_space<hbm>> -> memref<16x1024xf32, #tpu.memory_space<hbm>>
      %dma_start3A_375 = arith.constant 0 : i32
      %dma_start3A_376 = arith.constant 0 : i32
      %dma_start3A_377 = tpu.memref_slice %arg4[%dma_start3A_375, %dma_start3A_376] : memref<1024x1024xf32, #tpu.memory_space<hbm>> -> memref<16x1024xf32, #tpu.memory_space<hbm>>
      tpu.enqueue_dma source(%dma_start3A_377 : memref<16x1024xf32, #tpu.memory_space<hbm>>) target(%arg10 : memref<16x1024xf32, #tpu.memory_space<vmem>>) target_semaphore(%arg15 : memref<!tpu.dma_semaphore, #tpu.memory_space<semaphore_mem>>)
      scf.yield %add3A_321, %add3A_333, %add3A_345, %add3A_357 : vector<16xf32>, vector<16xf32>, vector<16xf32>, vector<16xf32>
    }
    %scan3A_51 = arith.constant 31 : i32
    %add3A_52 = arith.constant 992 : i32
    %add3A_53 = arith.addi %mul3A_2, %add3A_52 : i32
    %mul3A_54 = arith.constant 1000 : i32
    %mul3A_55 = arith.muli %add3A_53, %mul3A_54 : i32
    %dma_wait3A = arith.constant 0 : i32
    %dma_wait3A_56 = tpu.memref_slice %arg7[%dma_wait3A] : memref<16032xf32, #tpu.memory_space<vmem>> -> memref<16000xf32, #tpu.memory_space<vmem>>
    %dma_wait3A_57 = tpu.memref_slice %arg2[%mul3A_55] : memref<32768000xf32, #tpu.memory_space<hbm>> -> memref<16000xf32, #tpu.memory_space<hbm>>
    %dma_wait3A_58 = arith.constant 0 : i32
    %dma_wait3A_59 = tpu.memref_slice %arg7[%dma_wait3A_58] : memref<16032xf32, #tpu.memory_space<vmem>> -> memref<16000xf32, #tpu.memory_space<vmem>>
    %dma_wait3A_60 = tpu.memref_slice %arg2[%mul3A_55] : memref<32768000xf32, #tpu.memory_space<hbm>> -> memref<16000xf32, #tpu.memory_space<hbm>>
    tpu.wait_dma2 semaphore(%arg12 : memref<!tpu.dma_semaphore, #tpu.memory_space<semaphore_mem>>) src(%dma_wait3A_60 : memref<16000xf32, #tpu.memory_space<hbm>>) dst(%dma_wait3A_59 : memref<16000xf32, #tpu.memory_space<vmem>>)
    %dma_wait3A_61 = arith.constant 0 : i32
    %dma_wait3A_62 = arith.constant 0 : i32
    %dma_wait3A_63 = tpu.memref_slice %arg4[%dma_wait3A_61, %dma_wait3A_62] : memref<1024x1024xf32, #tpu.memory_space<hbm>> -> memref<16x1024xf32, #tpu.memory_space<hbm>>
    %dma_wait3A_64 = arith.constant 0 : i32
    %dma_wait3A_65 = arith.constant 0 : i32
    %dma_wait3A_66 = tpu.memref_slice %arg4[%dma_wait3A_64, %dma_wait3A_65] : memref<1024x1024xf32, #tpu.memory_space<hbm>> -> memref<16x1024xf32, #tpu.memory_space<hbm>>
    tpu.wait_dma2 semaphore(%arg14 : memref<!tpu.dma_semaphore, #tpu.memory_space<semaphore_mem>>) src(%dma_wait3A_66 : memref<16x1024xf32, #tpu.memory_space<hbm>>) dst(%arg9 : memref<16x1024xf32, #tpu.memory_space<vmem>>)
    %scan3A_67 = arith.constant 0 : i32
    %mul3A_68 = arith.constant 4 : i32
    %mul3A_69 = arith.muli %scan3A_67, %mul3A_68 : i32
    %add3A_70 = arith.constant 0 : i32
    %add3A_71 = arith.addi %mul3A_69, %add3A_70 : i32
    %add3A_72 = vector.broadcast %add3A_71 : i32 to vector<16xi32>
    %add3A_73 = arith.addi %mul3A_13, %add3A_72 : vector<16xi32>
    %gather3A = tpu.vector_load_idx %arg7[%add3A_73] : memref<16032xf32, #tpu.memory_space<vmem>>[vector<16xi32>], vector<16xf32>,
    %add3A_74 = arith.constant 0 : i32
    %add3A_75 = arith.addi %mul3A_69, %add3A_74 : i32
    %add3A_76 = vector.broadcast %add3A_75 : i32 to vector<16xi32>
    %add3A_77 = arith.addi %broadcast_in_dim3A_15, %add3A_76 : vector<16xi32>
    %gather3A_78 = tpu.vector_load_idx %arg9[%iota3A, %add3A_77] : memref<16x1024xf32, #tpu.memory_space<vmem>>[vector<16xi32>, vector<16xi32>], vector<16xf32>,
    %mul3A_79 = arith.mulf %gather3A, %gather3A_78 : vector<16xf32>
    %add3A_80 = arith.addf %scan3A_50#0, %mul3A_79 : vector<16xf32>
    %add3A_81 = arith.constant 1 : i32
    %add3A_82 = arith.addi %mul3A_69, %add3A_81 : i32
    %add3A_83 = vector.broadcast %add3A_82 : i32 to vector<16xi32>
    %add3A_84 = arith.addi %mul3A_13, %add3A_83 : vector<16xi32>
    %gather3A_85 = tpu.vector_load_idx %arg7[%add3A_84] : memref<16032xf32, #tpu.memory_space<vmem>>[vector<16xi32>], vector<16xf32>,
    %add3A_86 = arith.constant 1 : i32
    %add3A_87 = arith.addi %mul3A_69, %add3A_86 : i32
    %add3A_88 = vector.broadcast %add3A_87 : i32 to vector<16xi32>
    %add3A_89 = arith.addi %broadcast_in_dim3A_15, %add3A_88 : vector<16xi32>
    %gather3A_90 = tpu.vector_load_idx %arg9[%iota3A, %add3A_89] : memref<16x1024xf32, #tpu.memory_space<vmem>>[vector<16xi32>, vector<16xi32>], vector<16xf32>,
    %mul3A_91 = arith.mulf %gather3A_85, %gather3A_90 : vector<16xf32>
    %add3A_92 = arith.addf %scan3A_50#1, %mul3A_91 : vector<16xf32>
    %add3A_93 = arith.constant 2 : i32
    %add3A_94 = arith.addi %mul3A_69, %add3A_93 : i32
    %add3A_95 = vector.broadcast %add3A_94 : i32 to vector<16xi32>
    %add3A_96 = arith.addi %mul3A_13, %add3A_95 : vector<16xi32>
    %gather3A_97 = tpu.vector_load_idx %arg7[%add3A_96] : memref<16032xf32, #tpu.memory_space<vmem>>[vector<16xi32>], vector<16xf32>,
    %add3A_98 = arith.constant 2 : i32
    %add3A_99 = arith.addi %mul3A_69, %add3A_98 : i32
    %add3A_100 = vector.broadcast %add3A_99 : i32 to vector<16xi32>
    %add3A_101 = arith.addi %broadcast_in_dim3A_15, %add3A_100 : vector<16xi32>
    %gather3A_102 = tpu.vector_load_idx %arg9[%iota3A, %add3A_101] : memref<16x1024xf32, #tpu.memory_space<vmem>>[vector<16xi32>, vector<16xi32>], vector<16xf32>,
    %mul3A_103 = arith.mulf %gather3A_97, %gather3A_102 : vector<16xf32>
    %add3A_104 = arith.addf %scan3A_50#2, %mul3A_103 : vector<16xf32>
    %add3A_105 = arith.constant 3 : i32
    %add3A_106 = arith.addi %mul3A_69, %add3A_105 : i32
    %add3A_107 = vector.broadcast %add3A_106 : i32 to vector<16xi32>
    %add3A_108 = arith.addi %mul3A_13, %add3A_107 : vector<16xi32>
    %gather3A_109 = tpu.vector_load_idx %arg7[%add3A_108] : memref<16032xf32, #tpu.memory_space<vmem>>[vector<16xi32>], vector<16xf32>,
    %add3A_110 = arith.constant 3 : i32
    %add3A_111 = arith.addi %mul3A_69, %add3A_110 : i32
    %add3A_112 = vector.broadcast %add3A_111 : i32 to vector<16xi32>
    %add3A_113 = arith.addi %broadcast_in_dim3A_15, %add3A_112 : vector<16xi32>
    %gather3A_114 = tpu.vector_load_idx %arg9[%iota3A, %add3A_113] : memref<16x1024xf32, #tpu.memory_space<vmem>>[vector<16xi32>, vector<16xi32>], vector<16xf32>,
    %mul3A_115 = arith.mulf %gather3A_109, %gather3A_114 : vector<16xf32>
    %add3A_116 = arith.addf %scan3A_50#3, %mul3A_115 : vector<16xf32>
    %scan3A_117 = arith.constant 1 : i32
    %add3A_118 = arith.constant 1008 : i32
    %add3A_119 = arith.addi %mul3A_2, %add3A_118 : i32
    %mul3A_120 = arith.constant 1000 : i32
    %mul3A_121 = arith.muli %add3A_119, %mul3A_120 : i32
    %dma_wait3A_122 = arith.constant 0 : i32
    %dma_wait3A_123 = tpu.memref_slice %arg8[%dma_wait3A_122] : memref<16032xf32, #tpu.memory_space<vmem>> -> memref<16000xf32, #tpu.memory_space<vmem>>
    %dma_wait3A_124 = tpu.memref_slice %arg2[%mul3A_121] : memref<32768000xf32, #tpu.memory_space<hbm>> -> memref<16000xf32, #tpu.memory_space<hbm>>
    %dma_wait3A_125 = arith.constant 0 : i32
    %dma_wait3A_126 = tpu.memref_slice %arg8[%dma_wait3A_125] : memref<16032xf32, #tpu.memory_space<vmem>> -> memref<16000xf32, #tpu.memory_space<vmem>>
    %dma_wait3A_127 = tpu.memref_slice %arg2[%mul3A_121] : memref<32768000xf32, #tpu.memory_space<hbm>> -> memref<16000xf32, #tpu.memory_space<hbm>>
    tpu.wait_dma2 semaphore(%arg13 : memref<!tpu.dma_semaphore, #tpu.memory_space<semaphore_mem>>) src(%dma_wait3A_127 : memref<16000xf32, #tpu.memory_space<hbm>>) dst(%dma_wait3A_126 : memref<16000xf32, #tpu.memory_space<vmem>>)
    %dma_wait3A_128 = arith.constant 0 : i32
    %dma_wait3A_129 = arith.constant 0 : i32
    %dma_wait3A_130 = tpu.memref_slice %arg4[%dma_wait3A_128, %dma_wait3A_129] : memref<1024x1024xf32, #tpu.memory_space<hbm>> -> memref<16x1024xf32, #tpu.memory_space<hbm>>
    %dma_wait3A_131 = arith.constant 0 : i32
    %dma_wait3A_132 = arith.constant 0 : i32
    %dma_wait3A_133 = tpu.memref_slice %arg4[%dma_wait3A_131, %dma_wait3A_132] : memref<1024x1024xf32, #tpu.memory_space<hbm>> -> memref<16x1024xf32, #tpu.memory_space<hbm>>
    tpu.wait_dma2 semaphore(%arg15 : memref<!tpu.dma_semaphore, #tpu.memory_space<semaphore_mem>>) src(%dma_wait3A_133 : memref<16x1024xf32, #tpu.memory_space<hbm>>) dst(%arg10 : memref<16x1024xf32, #tpu.memory_space<vmem>>)
    %scan3A_134 = arith.constant 0 : i32
    %mul3A_135 = arith.constant 4 : i32
    %mul3A_136 = arith.muli %scan3A_134, %mul3A_135 : i32
    %add3A_137 = arith.constant 0 : i32
    %add3A_138 = arith.addi %mul3A_136, %add3A_137 : i32
    %add3A_139 = vector.broadcast %add3A_138 : i32 to vector<16xi32>
    %add3A_140 = arith.addi %mul3A_13, %add3A_139 : vector<16xi32>
    %gather3A_141 = tpu.vector_load_idx %arg8[%add3A_140] : memref<16032xf32, #tpu.memory_space<vmem>>[vector<16xi32>], vector<16xf32>,
    %add3A_142 = arith.constant 0 : i32
    %add3A_143 = arith.addi %mul3A_136, %add3A_142 : i32
    %add3A_144 = vector.broadcast %add3A_143 : i32 to vector<16xi32>
    %add3A_145 = arith.addi %broadcast_in_dim3A_15, %add3A_144 : vector<16xi32>
    %gather3A_146 = tpu.vector_load_idx %arg10[%iota3A, %add3A_145] : memref<16x1024xf32, #tpu.memory_space<vmem>>[vector<16xi32>, vector<16xi32>], vector<16xf32>,
    %mul3A_147 = arith.mulf %gather3A_141, %gather3A_146 : vector<16xf32>
    %add3A_148 = arith.addf %add3A_80, %mul3A_147 : vector<16xf32>
    %add3A_149 = arith.constant 1 : i32
    %add3A_150 = arith.addi %mul3A_136, %add3A_149 : i32
    %add3A_151 = vector.broadcast %add3A_150 : i32 to vector<16xi32>
    %add3A_152 = arith.addi %mul3A_13, %add3A_151 : vector<16xi32>
    %gather3A_153 = tpu.vector_load_idx %arg8[%add3A_152] : memref<16032xf32, #tpu.memory_space<vmem>>[vector<16xi32>], vector<16xf32>,
    %add3A_154 = arith.constant 1 : i32
    %add3A_155 = arith.addi %mul3A_136, %add3A_154 : i32
    %add3A_156 = vector.broadcast %add3A_155 : i32 to vector<16xi32>
    %add3A_157 = arith.addi %broadcast_in_dim3A_15, %add3A_156 : vector<16xi32>
    %gather3A_158 = tpu.vector_load_idx %arg10[%iota3A, %add3A_157] : memref<16x1024xf32, #tpu.memory_space<vmem>>[vector<16xi32>, vector<16xi32>], vector<16xf32>,
    %mul3A_159 = arith.mulf %gather3A_153, %gather3A_158 : vector<16xf32>
    %add3A_160 = arith.addf %add3A_92, %mul3A_159 : vector<16xf32>
    %add3A_161 = arith.constant 2 : i32
    %add3A_162 = arith.addi %mul3A_136, %add3A_161 : i32
    %add3A_163 = vector.broadcast %add3A_162 : i32 to vector<16xi32>
    %add3A_164 = arith.addi %mul3A_13, %add3A_163 : vector<16xi32>
    %gather3A_165 = tpu.vector_load_idx %arg8[%add3A_164] : memref<16032xf32, #tpu.memory_space<vmem>>[vector<16xi32>], vector<16xf32>,
    %add3A_166 = arith.constant 2 : i32
    %add3A_167 = arith.addi %mul3A_136, %add3A_166 : i32
    %add3A_168 = vector.broadcast %add3A_167 : i32 to vector<16xi32>
    %add3A_169 = arith.addi %broadcast_in_dim3A_15, %add3A_168 : vector<16xi32>
    %gather3A_170 = tpu.vector_load_idx %arg10[%iota3A, %add3A_169] : memref<16x1024xf32, #tpu.memory_space<vmem>>[vector<16xi32>, vector<16xi32>], vector<16xf32>,
    %mul3A_171 = arith.mulf %gather3A_165, %gather3A_170 : vector<16xf32>
    %add3A_172 = arith.addf %add3A_104, %mul3A_171 : vector<16xf32>
    %add3A_173 = arith.constant 3 : i32
    %add3A_174 = arith.addi %mul3A_136, %add3A_173 : i32
    %add3A_175 = vector.broadcast %add3A_174 : i32 to vector<16xi32>
    %add3A_176 = arith.addi %mul3A_13, %add3A_175 : vector<16xi32>
    %gather3A_177 = tpu.vector_load_idx %arg8[%add3A_176] : memref<16032xf32, #tpu.memory_space<vmem>>[vector<16xi32>], vector<16xf32>,
    %add3A_178 = arith.constant 3 : i32
    %add3A_179 = arith.addi %mul3A_136, %add3A_178 : i32
    %add3A_180 = vector.broadcast %add3A_179 : i32 to vector<16xi32>
    %add3A_181 = arith.addi %broadcast_in_dim3A_15, %add3A_180 : vector<16xi32>
    %gather3A_182 = tpu.vector_load_idx %arg10[%iota3A, %add3A_181] : memref<16x1024xf32, #tpu.memory_space<vmem>>[vector<16xi32>, vector<16xi32>], vector<16xf32>,
    %mul3A_183 = arith.mulf %gather3A_177, %gather3A_182 : vector<16xf32>
    %add3A_184 = arith.addf %add3A_116, %mul3A_183 : vector<16xf32>
    %scan3A_185 = arith.constant 1 : i32
    %add3A_186 = arith.addf %add3A_148, %add3A_160 : vector<16xf32>
    %add3A_187 = arith.addf %add3A_172, %add3A_184 : vector<16xf32>
    %add3A_188 = arith.addf %add3A_186, %add3A_187 : vector<16xf32>
    %swap3A_189 = arith.constant 0 : index
    %swap3A_190 = tpu.vector_load %arg11[%swap3A_189] {strides = array<i32>} : memref<16xf32, #tpu.memory_space<vmem>>, vector<16xf32>,
    tpu.vector_store %arg11[%swap3A_189], %add3A_188 {strides = array<i32>} : memref<16xf32, #tpu.memory_space<vmem>>, vector<16xf32>,
    "tpu.region"() ({
      %run_scoped3A = tpu.sem_alloc : memref<!tpu.dma_semaphore, #tpu.memory_space<semaphore_mem>>
      %dma_start3A_191 = arith.constant 0 : i32
      %dma_start3A_192 = tpu.memref_slice %arg5[%add3A, %dma_start3A_191] : memref<32x16xf32, #tpu.memory_space<hbm>> -> memref<1x16xf32, #tpu.memory_space<hbm>>
      %dma_start3A_193 = tpu.memref_squeeze %dma_start3A_192 : memref<1x16xf32, #tpu.memory_space<hbm>> -> memref<16xf32, #tpu.memory_space<hbm>>
      %dma_start3A_194 = arith.constant 0 : i32
      %dma_start3A_195 = tpu.memref_slice %arg5[%add3A, %dma_start3A_194] : memref<32x16xf32, #tpu.memory_space<hbm>> -> memref<1x16xf32, #tpu.memory_space<hbm>>
      %dma_start3A_196 = tpu.memref_squeeze %dma_start3A_195 : memref<1x16xf32, #tpu.memory_space<hbm>> -> memref<16xf32, #tpu.memory_space<hbm>>
      tpu.enqueue_dma source(%arg11 : memref<16xf32, #tpu.memory_space<vmem>>) target(%dma_start3A_196 : memref<16xf32, #tpu.memory_space<hbm>>) target_semaphore(%run_scoped3A : memref<!tpu.dma_semaphore, #tpu.memory_space<semaphore_mem>>)
      %dma_wait3A_197 = arith.constant 0 : i32
      %dma_wait3A_198 = tpu.memref_slice %arg5[%add3A, %dma_wait3A_197] : memref<32x16xf32, #tpu.memory_space<hbm>> -> memref<1x16xf32, #tpu.memory_space<hbm>>
      %dma_wait3A_199 = tpu.memref_squeeze %dma_wait3A_198 : memref<1x16xf32, #tpu.memory_space<hbm>> -> memref<16xf32, #tpu.memory_space<hbm>>
      %dma_wait3A_200 = arith.constant 0 : i32
      %dma_wait3A_201 = tpu.memref_slice %arg5[%add3A, %dma_wait3A_200] : memref<32x16xf32, #tpu.memory_space<hbm>> -> memref<1x16xf32, #tpu.memory_space<hbm>>
      %dma_wait3A_202 = tpu.memref_squeeze %dma_wait3A_201 : memref<1x16xf32, #tpu.memory_space<hbm>> -> memref<16xf32, #tpu.memory_space<hbm>>
      tpu.wait_dma2 semaphore(%run_scoped3A : memref<!tpu.dma_semaphore, #tpu.memory_space<semaphore_mem>>) src(%arg11 : memref<16xf32, #tpu.memory_space<vmem>>) dst(%dma_wait3A_202 : memref<16xf32, #tpu.memory_space<hbm>>)
      tpu.yield
    }) : () -> ()
    return
  }
}

module attributes {stable_mosaic.version = 14 : i64} {
  func.func @_codes_block(%arg0: i32, %arg1: i32, %arg2: memref<1x256x1000xf32, #tpu.memory_space<vmem>>, %arg3: memref<16xi32, #tpu.memory_space<smem>>, %arg4: memref<1x1x256xi32, #tpu.memory_space<vmem>>, %arg5: memref<1xi32, #tpu.memory_space<smem>>) attributes {dimension_semantics = [#tpu.dimension_semantics<arbitrary>, #tpu.dimension_semantics<arbitrary>], iteration_bounds = array<i64: 16, 8>, scalar_prefetch = 0 : i64, scratch_operands = 1 : i64, tpu.core_type = #tpu.core_type<tc>, window_params = [{transform_indices = @transform_0, window_bounds = array<i64: 1, 256, 1000>}, {transform_indices = @transform_1, window_bounds = array<i64: 16>}, {transform_indices = @transform_2, window_bounds = array<i64: 1, 1, 256>}]} {
    %get3A = arith.constant 0 : index
    %get3A_0 = arith.constant 0 : index
    %get3A_1 = arith.constant 0 : index
    %get3A_2 = vector.load %arg2[%get3A, %get3A_0, %get3A_1] : memref<1x256x1000xf32, #tpu.memory_space<vmem>>, vector<1x256x1000xf32>
    %get3A_3 = vector.shape_cast %get3A_2 : vector<1x256x1000xf32> to vector<256x1000xf32>
    %reduce_max3A = arith.constant dense<0xFF800000> : vector<256xf32>
    %reduce_max3A_4 = vector.multi_reduction <maximumf>, %get3A_3, %reduce_max3A [1] : vector<256x1000xf32> to vector<256xf32>
    %broadcast_in_dim3A = vector.shape_cast %reduce_max3A_4 : vector<256xf32> to vector<256x1xf32>
    %iota3A = tpu.iota {dimensions = array<i32: 1>} : vector<256x1000xi32>
    %eq3A = vector.broadcast %broadcast_in_dim3A : vector<256x1xf32> to vector<256x1000xf32>
    %eq3A_5 = arith.cmpf oeq, %get3A_3, %eq3A : vector<256x1000xf32>
    %jit3A = arith.constant 1000 : i32
    %broadcast_in_dim3A_6 = vector.broadcast %jit3A : i32 to vector<256x1000xi32>
    %select_n3A = arith.select %eq3A_5, %iota3A, %broadcast_in_dim3A_6 : vector<256x1000xi1>, vector<256x1000xi32>
    %reduce_min3A = arith.constant dense<2147483647> : vector<256xi32>
    %reduce_min3A_7 = vector.multi_reduction <minsi>, %select_n3A, %reduce_min3A [1] : vector<256x1000xi32> to vector<256xi32>
    %broadcast_in_dim3A_8 = vector.shape_cast %reduce_min3A_7 : vector<256xi32> to vector<256x1xi32>
    %eq3A_9 = arith.constant 0 : i32
    %eq3A_10 = arith.cmpi eq, %arg1, %eq3A_9 : i32
    %get3A_11 = arith.constant 0 : index
    %get3A_12 = memref.load %arg5[%get3A_11] : memref<1xi32, #tpu.memory_space<smem>>
    %jit3A_13 = arith.constant 1 : i32
    %select_n3A_14 = arith.select %eq3A_10, %jit3A_13, %get3A_12 : i32
    %slice3A = vector.extract_strided_slice %broadcast_in_dim3A_8 {offsets = [255, 0], sizes = [1, 1], strides = [1, 1]} : vector<256x1xi32> to vector<1x1xi32>
    %slice3A_15 = vector.extract_strided_slice %broadcast_in_dim3A_8 {offsets = [0, 0], sizes = [255, 1], strides = [1, 1]} : vector<256x1xi32> to vector<255x1xi32>
    %concatenate3A = tpu.concatenate %slice3A, %slice3A_15 in 0 : vector<1x1xi32>, vector<255x1xi32> -> vector<256x1xi32>
    %iota3A_16 = tpu.iota {dimensions = array<i32: 0>} : vector<256x1xi32>
    %eq3A_17 = arith.constant 0 : i32
    %eq3A_18 = vector.broadcast %eq3A_17 : i32 to vector<256x1xi32>
    %eq3A_19 = arith.cmpi eq, %iota3A_16, %eq3A_18 : vector<256x1xi32>
    %broadcast_in_dim3A_20 = vector.broadcast %select_n3A_14 : i32 to vector<256x1xi32>
    %select_n3A_21 = arith.select %eq3A_19, %broadcast_in_dim3A_20, %concatenate3A : vector<256x1xi1>, vector<256x1xi32>
    %slice3A_22 = vector.extract_strided_slice %broadcast_in_dim3A_8 {offsets = [255, 0], sizes = [1, 1], strides = [1, 1]} : vector<256x1xi32> to vector<1x1xi32>
    %squeeze3A = vector.extract %slice3A_22[0, 0] : i32 from vector<1x1xi32>
    %swap3A = arith.constant 0 : index
    %swap3A_23 = memref.load %arg5[%swap3A] : memref<1xi32, #tpu.memory_space<smem>>
    memref.store %squeeze3A, %arg5[%swap3A] : memref<1xi32, #tpu.memory_space<smem>>
    %mul3A = arith.constant 256 : i32
    %mul3A_24 = arith.muli %arg1, %mul3A : i32
    %add3A = vector.broadcast %mul3A_24 : i32 to vector<256x1xi32>
    %add3A_25 = arith.addi %add3A, %iota3A_16 : vector<256x1xi32>
    %get3A_26 = arith.index_cast %arg0 : i32 to index
    %get3A_27 = memref.load %arg3[%get3A_26] : memref<16xi32, #tpu.memory_space<smem>>
    %ge3A = vector.broadcast %get3A_27 : i32 to vector<256x1xi32>
    %ge3A_28 = arith.cmpi sge, %add3A_25, %ge3A : vector<256x1xi32>
    %jit3A_29 = arith.constant 1000 : i32
    %broadcast_in_dim3A_30 = vector.broadcast %jit3A_29 : i32 to vector<256x1xi32>
    %select_n3A_31 = arith.select %ge3A_28, %broadcast_in_dim3A_30, %select_n3A_21 : vector<256x1xi1>, vector<256x1xi32>
    %reshape3A = vector.shape_cast %select_n3A_31 : vector<256x1xi32> to vector<1x1x256xi32>
    %swap3A_32 = arith.constant 0 : index
    %swap3A_33 = arith.constant 0 : index
    %swap3A_34 = arith.constant 0 : index
    %swap3A_35 = vector.load %arg4[%swap3A_32, %swap3A_33, %swap3A_34] : memref<1x1x256xi32, #tpu.memory_space<vmem>>, vector<1x1x256xi32>
    tpu.vector_store %arg4[%swap3A_32, %swap3A_33, %swap3A_34], %reshape3A {strides = array<i32>} : memref<1x1x256xi32, #tpu.memory_space<vmem>>, vector<1x1x256xi32>,
    return
  }
  func.func @transform_0(%arg0: i32, %arg1: i32) -> (i32, i32, i32) {
    %c0_i32 = arith.constant 0 : i32
    %c0_i32_0 = arith.constant 0 : i32
    return %arg0, %arg1, %c0_i32 : i32, i32, i32
  }
  func.func @transform_1(%arg0: i32, %arg1: i32) -> i32 {
    %c0_i32 = arith.constant 0 : i32
    %c0_i32_0 = arith.constant 0 : i32
    return %c0_i32 : i32
  }
  func.func @transform_2(%arg0: i32, %arg1: i32) -> (i32, i32, i32) {
    %mul3A = arith.constant 8 : i32
    %mul3A_0 = arith.muli %arg0, %mul3A : i32
    %add3A = arith.addi %mul3A_0, %arg1 : i32
    %c0_i32 = arith.constant 0 : i32
    %c0_i32_1 = arith.constant 0 : i32
    %c0_i32_2 = arith.constant 0 : i32
    return %add3A, %c0_i32, %c0_i32_1 : i32, i32, i32
  }
}

module attributes {stable_mosaic.version = 14 : i64} {
  func.func @_neglog_block(%arg0: memref<1024x1024xf32, #tpu.memory_space<vmem>>, %arg1: memref<1024x1024xf32, #tpu.memory_space<vmem>>) attributes {dimension_semantics = [], scalar_prefetch = 0 : i64, scratch_operands = 0 : i64, tpu.core_type = #tpu.core_type<tc>} {
    %get3A = arith.constant 0 : index
    %get3A_0 = arith.constant 0 : index
    %get3A_1 = vector.load %arg0[%get3A, %get3A_0] : memref<1024x1024xf32, #tpu.memory_space<vmem>>, vector<1024x1024xf32>
    %log3A = math.log %get3A_1 : vector<1024x1024xf32>
    %neg3A = arith.constant 0.000000e+00 : f32
    %neg3A_2 = vector.broadcast %neg3A : f32 to vector<1024x1024xf32>
    %neg3A_3 = arith.subf %neg3A_2, %log3A : vector<1024x1024xf32>
    %iota3A = tpu.iota {dimensions = array<i32: 0>} : vector<1024x1024xi32>
    %iota3A_4 = tpu.iota {dimensions = array<i32: 1>} : vector<1024x1024xi32>
    %lt3A = arith.constant 1000 : i32
    %lt3A_5 = vector.broadcast %lt3A : i32 to vector<1024x1024xi32>
    %lt3A_6 = arith.cmpi slt, %iota3A_4, %lt3A_5 : vector<1024x1024xi32>
    %jit3A = arith.constant 23.0258503 : f32
    %jit3A_7 = arith.constant 0.000000e+00 : f32
    %broadcast_in_dim3A = vector.broadcast %jit3A : f32 to vector<1024x1024xf32>
    %broadcast_in_dim3A_8 = vector.broadcast %jit3A_7 : f32 to vector<1024x1024xf32>
    %select_n3A = arith.select %lt3A_6, %broadcast_in_dim3A, %broadcast_in_dim3A_8 : vector<1024x1024xi1>, vector<1024x1024xf32>
    %eq3A = arith.constant 1000 : i32
    %eq3A_9 = vector.broadcast %eq3A : i32 to vector<1024x1024xi32>
    %eq3A_10 = arith.cmpi eq, %iota3A, %eq3A_9 : vector<1024x1024xi32>
    %select_n3A_11 = arith.select %eq3A_10, %select_n3A, %neg3A_3 : vector<1024x1024xi1>, vector<1024x1024xf32>
    %swap3A = arith.constant 0 : index
    %swap3A_12 = arith.constant 0 : index
    %swap3A_13 = vector.load %arg1[%swap3A, %swap3A_12] : memref<1024x1024xf32, #tpu.memory_space<vmem>>, vector<1024x1024xf32>
    tpu.vector_store %arg1[%swap3A, %swap3A_12], %select_n3A_11 {strides = array<i32>} : memref<1024x1024xf32, #tpu.memory_space<vmem>>, vector<1024x1024xf32>,
    return
  }
}

</mosaic_0001>

<sc_bundles>
// kernel: kernel.5.cloned.1.call-start
scs
__scs_entry_jumppad:
0x0: {  	(pc) =	sbr.rel $0x88, $3  }
0x1: {  	(tag) =	ssettag $0x0;
	lr =	simm.s32 $0x1  }
0x2: {  	[smem:$0x3F9E] =	sst lr;
	_ =	strace $0xD0000000  }
0x3: {  	_ = 	snop  }
0x4: {  	_ = 	snop  }
0x5: {  	_ = 	snop  }
0x6: {  	_ = 	snop  }
0x7: {  	_ = 	snop  }
__scs_overlays_trampoline_lowered:
0x8: {  	[smem:$0x3FAD] =	sst s0  }
0x9: {  	[smem:$0x3FAE] =	sst s1  }
0xa: {  	[smem:$0x3FAF] =	sst s2  }
0xb: {  	[smem:$0x3FB0] =	sst s3  }
0xc: {  	[smem:$0x3FB1] =	sst s4  }
0xd: {  	[smem:$0x3FB2] =	sst s5  }
0xe: {  	[smem:$0x3FB3] =	sst s6  }
0xf: {  	[smem:$0x3FB4] =	sst s7  }
0x10: {  	[smem:$0x3FB5] =	sst s8  }
0x11: {  	[smem:$0x3FB6] =	sst s9;
	s0 =	simm.s32 @!p0 $0x0  }
0x12: {  	s1 =	sld [smem:$0x3F9C];
	s0 =	simm.s32 @p0 $0x1  }
0x13: {  	[smem:$0x3FB7] =	sst s0;
	s0 =	simm.s32 @!p1 $0x0  }
0x14: {  	s2 =	sld [smem:$0x3F9B];
	s0 =	simm.s32 @p1 $0x1  }
0x15: {  	[smem:$0x3FB8] =	sst s0;
	s0 =	simm.s32 @!p2 $0x0  }
0x16: {  	s3 =	sld [smem:$0x3FDB];
	s0 =	simm.s32 @p2 $0x1  }
0x17: {  	s4 =	simm.s32 $0x1BF5;
	[smem:$0x3FBA] =	sst s0  }
0x18: {  	s0 =	sld [smem:$0x3F9D];
	_ =	swait.ge [sflag:s4], $0x0  }
0x19: {  	s7 =	sld [smem:$0x3F9E]  }
0x1a: {  	s8 =	sadd.s32 $0xFFFFE003, lr  }
0x1b: {  	s9 =	sadd.s32 $0xFFFFFEF7, lr;
	s5 =	simm.s32 $0xFFFFFFFF;
	p2 =	slt.u32 s8, $0xFFFFF086  }
0x1c: {  	p1 =	slt.u32 s9, $0xF7A;
	s5 =	simm.s32 @!p2 $0x0  }
0x1d: {  	s5 =	simm.s32 @p1 $0x1;
	p0 =	seq.s32 s7, s2  }
0x1e: {  	s7 =	smul.u32 @!p0 $0xF7A, s2;
	p2 =	seq.s32 @!p0 s5, $0x0  }
0x1f: {  	s9 =	smul.u32 $0xF7A, s1;
	s8 =	simm.s32 @!p0 $0x1BF5;
	p2 =	por !p2, p0  }
0x20: {  	[sflag:s8] =	ssyncset.s32 @!p0 $0xFFFFF086;
	s6 =	sadd.s32 @!p0 s3, s7;
	s7 =	simm.s32 @!p0 $0x108  }
0x21: {  	s3 =	sadd.s32 s3, s9;
	s6 =	sadd.s32 @!p0 $0x88, s6;
	s7 =	simm.s32 @p2 $0x1082  }
0x22: {  	[simem:s7], [sflag:s8] =	dma.local @!p0 [hbm:s6], $0xF7A  }
0x23: {  	s9 =	sor.u32 $0xD0000000, s2;
	s6 =	simm.s32 $0x108;
	_ =	swait.ge @!p0 [sflag:s8], $0x0  }
0x24: {  	s3 =	sadd.s32 $0x88, s3;
	s6 =	simm.s32 @!p1 $0x1082;
	[sflag:s4] =	ssyncset.s32 $0xFFFFF086  }
0x25: {  	[simem:s6], [sflag:s4] =	dma.local [hbm:s3], $0xF7A  }
0x26: {  	[smem:$0x3F9E] =	sst s1;
	(tag) =	ssettag s2;
	_ =	strace s9  }
0x27: {  	s1 =	sld [smem:$0x3FAE]  }
0x28: {  	s2 =	sld [smem:$0x3FAF]  }
0x29: {  	s4 =	sld [smem:$0x3FB1]  }
0x2a: {  	p0 =	seq.s32 s5, $0x0;
	s5 =	sld [smem:$0x3FB2]  }
0x2b: {  	s6 =	sld [smem:$0x3FB3]  }
0x2c: {  	s7 =	sld [smem:$0x3FB4]  }
0x2d: {  	s3 =	simm.s32 $0x108;
	s8 =	sld [smem:$0x3FB5]  }
0x2e: {  	s3 =	simm.s32 @!p0 $0x1082;
	s9 =	sld [smem:$0x3FB6]  }
0x2f: {  	lr =	sadd.s32 s0, s3;
	s0 =	sld [smem:$0x3FAD]  }
0x30: {  	s3 =	sld [smem:$0x3FB0]  }
0x31: {  	[smem:$0x3FB9] =	sst s10  }
0x32: {  	s10 =	sld [smem:$0x3FB7];
	_ =	sdelay $0x3  }
0x33: {  	p0 =	seq.s32 s10, $0x1;
	s10 =	sld [smem:$0x3FB9];
	_ =	sdelay $0x3  }
0x34: {  	[smem:$0x3FB9] =	sst s10  }
0x35: {  	s10 =	sld [smem:$0x3FB8];
	_ =	sdelay $0x3  }
0x36: {  	p1 =	seq.s32 s10, $0x1;
	s10 =	sld [smem:$0x3FB9];
	_ =	sdelay $0x3  }
0x37: {  	[smem:$0x3FB9] =	sst s10  }
0x38: {  	s10 =	sld [smem:$0x3FBA]  }
0x39: {  	_ = 	snop;
	(pc) =	sbr.ind lr, $3  }
0x3a: {  	_ = 	snop  }
0x3b: {  	_ = 	snop  }
0x3c: {  	p2 =	seq.s32 s10, $0x1;
	s10 =	sld [smem:$0x3FB9]  }
0x3d: {  	_ =	shalt  }
0x3e: {  	_ =	shalt  }
0x3f: {  	_ =	shalt  }
0x40: {  	_ =	shalt  }
0x41: {  	_ =	shalt  }
0x42: {  	_ =	shalt  }
0x43: {  	_ =	shalt  }
0x44: {  	_ =	shalt  }
0x45: {  	_ =	shalt  }
0x46: {  	_ =	shalt  }
0x47: {  	_ =	shalt  }
0x48: {  	_ =	shalt  }
0x49: {  	_ =	shalt  }
0x4a: {  	_ =	shalt  }
0x4b: {  	_ =	shalt  }
0x4c: {  	_ =	shalt  }
0x4d: {  	_ =	shalt  }
0x4e: {  	_ =	shalt  }
0x4f: {  	_ =	shalt  }
0x50: {  	_ =	shalt  }
0x51: {  	_ =	shalt  }
0x52: {  	_ =	shalt  }
0x53: {  	_ =	shalt  }
0x54: {  	_ =	shalt  }
0x55: {  	_ =	shalt  }
0x56: {  	_ =	shalt  }
0x57: {  	_ =	shalt  }
0x58: {  	_ =	shalt  }
0x59: {  	_ =	shalt  }
0x5a: {  	_ =	shalt  }
0x5b: {  	_ =	shalt  }
0x5c: {  	_ =	shalt  }
0x5d: {  	_ =	shalt  }
0x5e: {  	_ =	shalt  }
0x5f: {  	_ =	shalt  }
0x60: {  	_ =	shalt  }
0x61: {  	_ =	shalt  }
0x62: {  	_ =	shalt  }
0x63: {  	_ =	shalt  }
0x64: {  	_ =	shalt  }
0x65: {  	_ =	shalt  }
0x66: {  	_ =	shalt  }
0x67: {  	_ =	shalt  }
0x68: {  	_ =	shalt  }
0x69: {  	_ =	shalt  }
0x6a: {  	_ =	shalt  }
0x6b: {  	_ =	shalt  }
0x6c: {  	_ =	shalt  }
0x6d: {  	_ =	shalt  }
0x6e: {  	_ =	shalt  }
0x6f: {  	_ =	shalt  }
0x70: {  	_ =	shalt  }
0x71: {  	_ =	shalt  }
0x72: {  	_ =	shalt  }
0x73: {  	_ =	shalt  }
0x74: {  	_ =	shalt  }
0x75: {  	_ =	shalt  }
0x76: {  	_ =	shalt  }
0x77: {  	_ =	shalt  }
0x78: {  	_ =	shalt  }
0x79: {  	_ =	shalt  }
0x7a: {  	_ =	shalt  }
0x7b: {  	_ =	shalt  }
0x7c: {  	_ =	shalt  }
0x7d: {  	_ =	shalt  }
0x7e: {  	_ =	shalt  }
0x7f: {  	_ =	shalt  }
0x80: {  	_ =	shalt  }
0x81: {  	_ =	shalt  }
0x82: {  	_ =	shalt  }
0x83: {  	_ =	shalt  }
0x84: {  	_ =	shalt  }
0x85: {  	_ =	shalt  }
0x86: {  	_ =	shalt  }
0x87: {  	_ =	shalt  }
.Lfunc_end0:
.L_simem_size_0:
called_computation_lowered:
.L_overlay_start_0:
0x88: {  	s2 =	sld [smem:$0x3FD9]  }
0x89: {  	s3 =	sld [smem:$0x3FFE];
	_ =	sdelay $0x1  }
0x8a: {  	s1 =	srdreg.scid  }
0x8b: {  	s0 =	sand.u32 $0x1, s1  }
0x8c: {  	s16 =	sshll.u32 s0, $0xA;
	s2 =	sadd.s32 s3, s2  }
0x8d: {  	s2 =	sadd.s32 s2, s16  }
0x8e: {  	[smem:$0x3FC5] =	sst s2  }
0x8f: {  	_ = 	snop  }
0x90: {  	(tm) =	ssettm $0x1  }
0x91: {  	s17 =	sld [smem:$0x3FFB];
	_ =	sdelay $0x3  }
0x92: {  	_ =	strace s17  }
0x93: {  	s2 =	sld [smem:$0x3FFC];
	_ =	sdelay $0x3  }
0x94: {  	_ =	strace s2  }
0x95: {  	s2 =	sld [smem:$0x3FFD];
	_ =	sdelay $0x3  }
0x96: {  	_ =	strace s2  }
0x97: {  	_ =	strace $0x8FFFFFFF  }
0x98: {  	s18 =	sld [smem:$0x3FDB];
	_ =	sdelay $0x1  }
0x99: {  	s19 =	simm.s32 $_scs_section_size  }
0x9a: {  	s4 =	simm.s32 $_size__tile_overlayer_lowered;
	s5 =	simm.s32 $_tile_overlayer_lowered  }
0x9b: {  	s22 =	simm.s32 $0x1BFF;
	s21 =	sshll.u32 s5, $0x1;
	s2 =	sadd.s32 s19, s18  }
0x9c: {  	s6 =	simm.s32 $0x0;
	s20 =	sshll.u32 s4, $0x1;
	s4 =	sadd.s32 s21, s2  }
0x9d: {  	[timem:s6], [sflag:s22] =	dma.local [hbm:s4], s20  }
0x9e: {  	_ =	swait.ge [sflag:s22], s20  }
0x9f: {  	s3 =	ssub.s32 $0x0, s20;
	[sflag:s22] =	ssyncset.done $0x0  }
0xa0: {  	[sflag:s22] =	ssyncadd.s32 s3;
	_ =	sdelay $0x1  }
0xa1: {  	s23 =	simm.s32 $0x1B8B  }
0xa2: {  	_ =	swait.ge [sflag:s23], $0x1  }
0xa3: {  	[sflag:s23] =	ssyncset.done $0x0  }
0xa4: {  	s25 =	simm.s32 $0x1B8E;
	s24 =	sld [smem:$0x3FFE];
	[sflag:s23] =	ssyncadd.s32 $0xFFFFFFFF  }
0xa5: {  	s26 =	simm.s32 $execute0_lowered;
	[smem:$0x3FD2] =	sst s25  }
0xa6: {  	s4 =	sshll.u32 s26, $0x1;
	_ =	strace $0x80000046;
	[dreg:$0x1] =	wrdreg $0xFFFFFFFF  }
0xa7: {  	s28 =	simm.s32 $_size_execute0_lowered;
	s2 =	sadd.s32 s2, s4;
	[dreg:$0x0] =	wrdreg $0x0  }
0xa8: {  	s4 =	sshll.u32 s28, $0x1;
	[dreg:$0x2] =	wrdreg s2  }
0xa9: {  	[dreg:$0x3] =	wrdreg s4  }
0xaa: {  	[dreg:$0x4] =	wrdreg $0xC0  }
0xab: {  	_ =	task [dreg:s6], $0x5FFFF  }
0xac: {  	[dreg:$0x1] =	wrdreg $0xFFFFFFFF  }
0xad: {  	[dreg:$0x0] =	wrdreg $0x60  }
0xae: {  	[dreg:$0x2] =	wrdreg s24  }
0xaf: {  	[dreg:$0x3] =	wrdreg $0x9  }
0xb0: {  	_ =	task.clear_ibuf [dreg:s6], $0x4FFFF;
	_ =	strace $0x90000046  }
0xb1: {  	s29 =	simm.s32 $0x9;
	_ =	strace $0x80000048  }
0xb2: {  	_ =	swait.ge [sflag:s29], $0x1  }
0xb3: {  	[sflag:s29] =	ssyncadd.s32 $0xFFFFFFFF  }
0xb4: {  	_ =	strace $0x90000048  }
0xb5: {  	_ =	sfence  }
0xb6: {  	s30 =	sld [smem:$0x0];
	_ =	sdelay $0x2  }
0xb7: {  	s31 =	sshll.u32 s1, $0xD;
	s1 =	sshrl.u32 s1, $0x2  }
0xb8: {  	s3 =	sand.u32 $0x4000, s31;
	s1 =	sadd.s32 s1, s30  }
0xb9: {  	s0 =	sor.u32 s3, s0;
	s1 =	sshll.u32 s1, $0x11  }
0xba: {  	s0 =	sor.u32 s1, s0  }
0xbb: {  	s0 =	sadd.s32 $0x8F2B, s0  }
0xbc: {  	[sflag:s0] =	ssyncadd.remote.s32 $0x1  }
0xbd: {  	_ =	sfence.sel $0xFFFF  }
0xbe: {  	[dreg:$0x0] =	wrdreg $0xFFFFFFFF;
	(pc) =	sbr.abs _section_cstart, $3  }
0xbf: {  	[dreg:$0x1] =	wrdreg $0xFFFFFFFF  }
0xc0: {  	_ =	task.clear_ibuf [dreg:s6], $0x2FFFF;
	_ =	strace $0x9FFFFFFF  }
0xc1: {  	(tm) =	ssettm $0x7FFFFFFF  }
tec
execute0_lowered:
.L_overlay_start_1:
0x0: {  	(tag) =	ssettag $0x1  }
0x1: {  	s1 =	srdreg.scid  }
0x2: {  	s0 =	stileid.u32;
	s4 =	rddreg [dreg:$0x0];
	s2 =	simm.s32 $0x0  }
0x3: {  	s13 =	simm.s32 $0x42A0;
	s14 =	simm.s32 $0xC140;
	s15 =	simm.s32 $0x1  }
0x4: {  	s16 =	simm.s32 $0x3;
	s17 =	simm.s32 $0x2;
	s18 =	simm.s32 $0x4  }
0x5: {  	s19 =	simm.s32 $0x10140;
	s7 =	sand.u32 $0x1, s1;
	s1 =	rddreg [dreg:$0x1]  }
0x6: {  	s20 =	simm.s32 $0x0;
	s3 =	sshll.u32 s0, $0x1;
	[smem:$0x7FF] =	sst s2  }
0x7: {  	s9 =	sadd.s32 $0x400600, s4;
	s31 =	smul.u32 $0x3E800, s0;
	s5 =	sor.u32 s7, s3  }
0x8: {  	v1 =	vlaneseq.u32;
	_ =	strace $0x80000047;
	s10 =	ssub.s32 $0x2, s7;
	s12 =	smul.u32 $0x1F400, s7  }
0x9: {  	v0 =	vmul.u32 $0x3E8, v1;
	v1 =	vmul.u32 $0x400, v1;
	s3 =	sshll.u32 s5, $0x7;
	s8 =	sshll.u32 s5, $0x1;
	s11 =	smul.u32 $0xFA000, s5  }
0xa: {  	s29 =	sshrl.u32 s10, $0x1;
	s5 =	smul.u32 $0x1F400, s5;
	s6 =	sadd.s32 s3, s4  }
0xb: {  	v7 =	vor.u32 $0x3, v1;
	s3 =	sadd.s32 $0x1600, s4;
	s8 =	sadd.s32 s8, s4;
	s10 =	ssub.s32 s10, s29  }
0xc: {  	v3 =	vor.u32 $0x1, v1;
	s11 =	sshrl.u32 s11, $0x3;
	s4 =	sadd.s32 $0x600, s6;
	s5 =	sadd.s32 s9, s5  }
0xd: {  	v5 =	vor.u32 $0x2, v1;
	s7 =	sadd.s32 $0x21600, s8;
	s8 =	smax.u32 s10, $0x1;
	s10 =	simm.s32 $0x5  }
0xe: {  	v6 =	vor.u32 $0x3, v0;
	s30 =	sadd.s32 s9, s11;
	s9 =	sadd.s32 s31, s9;
	s11 =	simm.s32 $0x400  }
0xf: {  	v2 =	vor.u32 $0x1, v0;
	v4 =	vor.u32 $0x2, v0;
	s6 =	sadd.s32 $0x7D0, s30;
	s9 =	sadd.s32 s12, s9;
	s12 =	simm.s32 $0x8140  }
.LBB2_1:
0x10: {  	[tilespmem:s2], [sflag:$0x5] =	stream.linear.gather [hbm4b:s4+s2], $0x400, $0x38;
	[tilespmem:$0x10150] =	vst v63  }
0x11: {  	_ =	swait.ge [sflag:s10], $0x400  }
0x12: {  	[sflag:s10] =	ssyncset.done $0x0  }
0x13: {  	v8 =	vimm.f32 $0.0e+00;
	[sflag:s10] =	ssyncadd.s32 $0xFFFFFC00  }
0x14: {  	[tilespmem:$0x4280] =	vst v8  }
0x15: {  	[tilespmem:$0x4290] =	vst v8  }
0x16: {  	[tilespmem:$0x8120] =	vst v8  }
0x17: {  	[tilespmem:$0x8130] =	vst v8  }
0x18: {  	[tilespmem:s11], [sflag:$0x1] =	stream.linear.gather [hbm4b:s5+s2], $0x3E80, $0x38;
	[tilespmem:$0x10150] =	vst v63  }
0x19: {  	_ = 	snop  }
0x1a: {  	[tilespmem:s12], [sflag:$0x3] =	stream.linear.gather [hbm4b:s3+s2], $0x4000, $0x38;
	[tilespmem:$0x10150] =	vst v63  }
0x1b: {  	_ = 	snop  }
0x1c: {  	[tilespmem:s13], [sflag:$0x2] =	stream.linear.gather [hbm4b:s6+s2], $0x3E80, $0x38;
	[tilespmem:$0x10150] =	vst v63  }
0x1d: {  	_ = 	snop  }
0x1e: {  	[tilespmem:s14], [sflag:$0x4] =	stream.linear.gather [hbm4b:s3+s2], $0x4000, $0x38;
	[tilespmem:$0x10150] =	vst v63  }
0x1f: {  	_ =	swait.ge [sflag:s15], $0x3E80  }
0x20: {  	[sflag:s15] =	ssyncset.done $0x0  }
0x21: {  	[sflag:s15] =	ssyncadd.s32 $0xFFFFC180  }
0x22: {  	_ =	swait.ge [sflag:s16], $0x4000  }
0x23: {  	[sflag:s16] =	ssyncset.done $0x0  }
0x24: {  	[sflag:s16] =	ssyncadd.s32 $0xFFFFC000  }
0x25: {  	v9 =	vld.idx.msk [tilespmem:v7+s12+$0x0], $0xffff  }
0x26: {  	v10 =	vld.idx.msk [tilespmem:v6+s11+$0x0], $0xffff  }
0x27: {  	v11 =	vld.idx.msk [tilespmem:v5+s12+$0x0], $0xffff  }
0x28: {  	v12 =	vld.idx.msk [tilespmem:v4+s11+$0x0], $0xffff  }
0x29: {  	v14 =	vld.idx.msk [tilespmem:v3+s12+$0x0], $0xffff  }
0x2a: {  	s22 =	sadd.s32 $0xFFFE1BA0, s9;
	v15 =	vld.idx.msk [tilespmem:v2+s11+$0x0], $0xffff  }
0x2b: {  	s21 =	sadd.s32 $0x1F400, s22;
	v16 =	vld.idx.msk [tilespmem:v0+s11+$0x0], $0xffff  }
0x2c: {  	v17 =	vld.idx.msk [tilespmem:v1+s12+$0x0], $0xffff;
	[tilespmem:s11], [sflag:$0x1] =	stream.linear.gather [hbm4b:s21+s2], $0x3E80, $0x38  }
0x2d: {  	_ = 	snop  }
0x2e: {  	[tilespmem:s12], [sflag:$0x3] =	stream.linear.gather [hbm4b:s3+s2], $0x4000, $0x38;
	[tilespmem:$0x10150] =	vst v63  }
0x2f: {  	_ =	swait.ge [sflag:s17], $0x3E80  }
0x30: {  	[sflag:s17] =	ssyncset.done $0x0  }
0x31: {  	[sflag:s17] =	ssyncadd.s32 $0xFFFFC180  }
0x32: {  	_ =	swait.ge [sflag:s18], $0x4000  }
0x33: {  	v13 =	vmul.f32 v9, v10;
	v12 =	vmul.f32 v11, v12;
	[sflag:s18] =	ssyncset.done $0x0  }
0x34: {  	v15 =	vmul.f32 v14, v15;
	v14 =	vmul.f32 v17, v16;
	[sflag:s18] =	ssyncadd.s32 $0xFFFFC000  }
0x35: {  	s21 =	simm.s32 $0xFFFE2B40;
	v10 =	vimm.f32 $0.0e+00;
	v11 =	vimm.f32 $0.0e+00;
	v9 =	vimm.f32 $0.0e+00;
	v16 =	vld.idx.msk [tilespmem:v0+s13+$0x0], $0xffff  }
.LBB2_2:
0x36: {  	p0 =	sne.s32 s21, $0xFFFFF060;
	v17 =	vld.idx.msk [tilespmem:v7+s14+$0x0], $0xffff;
	s23 =	smov.u32 s21;
	s21 =	sadd.s32 $0xFA0, s21  }
0x37: {  	v18 =	vld.idx.msk [tilespmem:v3+s14+$0x0], $0xffff  }
0x38: {  	v19 =	vld.idx.msk [tilespmem:v5+s14+$0x0], $0xffff  }
0x39: {  	v20 =	vld.idx.msk [tilespmem:v6+s13+$0x0], $0xffff  }
0x3a: {  	v21 =	vld.idx.msk [tilespmem:v2+s13+$0x0], $0xffff  }
0x3b: {  	v22 =	vld.idx.msk [tilespmem:v1+s14+$0x0], $0xffff  }
0x3c: {  	s22 =	sadd.s32 $0x1FBD0, s22;
	v23 =	vld.idx.msk [tilespmem:v4+s13+$0x0], $0xffff  }
0x3d: {  	[tilespmem:s13], [sflag:$0x2] =	stream.linear.gather [hbm4b:s22+s2], $0x3E80, $0x38;
	[tilespmem:$0x10150] =	vst v63  }
0x3e: {  	_ = 	snop  }
0x3f: {  	v8 =	vadd.f32 v13, v8;
	v13 =	vmul.f32 v17, v20;
	[tilespmem:s14], [sflag:$0x4] =	stream.linear.gather [hbm4b:s3+s2], $0x4000, $0x38;
	[tilespmem:$0x10150] =	vst v63  }
0x40: {  	v10 =	vadd.f32 v12, v10;
	v11 =	vadd.f32 v15, v11;
	v12 =	vmul.f32 v18, v21;
	_ =	swait.ge [sflag:s15], $0x3E80  }
0x41: {  	v9 =	vadd.f32 v14, v9;
	v8 =	vadd.f32 v13, v8;
	v13 =	vmul.f32 v22, v16;
	[sflag:s15] =	ssyncset.done $0x0  }
0x42: {  	v14 =	vmul.f32 v19, v23;
	v11 =	vadd.f32 v12, v11;
	[sflag:s15] =	ssyncadd.s32 $0xFFFFC180  }
0x43: {  	v9 =	vadd.f32 v13, v9;
	_ =	swait.ge [sflag:s16], $0x4000  }
0x44: {  	v10 =	vadd.f32 v14, v10;
	[sflag:s16] =	ssyncset.done $0x0  }
0x45: {  	[sflag:s16] =	ssyncadd.s32 $0xFFFFC000  }
0x46: {  	v12 =	vld.idx.msk [tilespmem:v7+s12+$0x0], $0xffff  }
0x47: {  	v13 =	vld.idx.msk [tilespmem:v6+s11+$0x0], $0xffff  }
0x48: {  	v14 =	vld.idx.msk [tilespmem:v5+s12+$0x0], $0xffff  }
0x49: {  	v15 =	vld.idx.msk [tilespmem:v4+s11+$0x0], $0xffff  }
0x4a: {  	v16 =	vld.idx.msk [tilespmem:v3+s12+$0x0], $0xffff  }
0x4b: {  	v17 =	vld.idx.msk [tilespmem:v2+s11+$0x0], $0xffff  }
0x4c: {  	s22 =	sadd.s32 s23, s9;
	v18 =	vld.idx.msk [tilespmem:v0+s11+$0x0], $0xffff  }
0x4d: {  	s23 =	sadd.s32 $0x1F400, s22;
	v13 =	vmul.f32 v12, v13;
	v19 =	vld.idx.msk [tilespmem:v1+s12+$0x0], $0xffff  }
0x4e: {  	[tilespmem:s11], [sflag:$0x1] =	stream.linear.gather [hbm4b:s23+s2], $0x3E80, $0x38;
	[tilespmem:$0x10150] =	vst v63  }
0x4f: {  	v12 =	vmul.f32 v14, v15  }
0x50: {  	[tilespmem:s12], [sflag:$0x3] =	stream.linear.gather [hbm4b:s3+s2], $0x4000, $0x38;
	[tilespmem:$0x10150] =	vst v63  }
0x51: {  	v15 =	vmul.f32 v16, v17;
	_ =	swait.ge [sflag:s17], $0x3E80  }
0x52: {  	[sflag:s17] =	ssyncset.done $0x0  }
.Ltmp0:
0x53: {  	v14 =	vmul.f32 v19, v18;
	[sflag:s17] =	ssyncadd.s32 $0xFFFFC180;
	(pc) =	sbr.rel @p0 .LBB2_2-.Ltmp0, $4  }
0x54: {  	_ =	swait.ge [sflag:s18], $0x4000  }
0x55: {  	[sflag:s18] =	ssyncset.done $0x0  }
0x56: {  	[sflag:s18] =	ssyncadd.s32 $0xFFFFC000  }
0x57: {  	v16 =	vld.idx.msk [tilespmem:v0+s13+$0x0], $0xffff  }
0x58: {  	_ =	sdelay $0x3  }
0x59: {  	v17 =	vld.idx.msk [tilespmem:v7+s14+$0x0], $0xffff  }
0x5a: {  	v18 =	vld.idx.msk [tilespmem:v3+s14+$0x0], $0xffff  }
0x5b: {  	v19 =	vld.idx.msk [tilespmem:v5+s14+$0x0], $0xffff  }
0x5c: {  	v20 =	vld.idx.msk [tilespmem:v6+s13+$0x0], $0xffff  }
0x5d: {  	v21 =	vld.idx.msk [tilespmem:v2+s13+$0x0], $0xffff  }
0x5e: {  	v22 =	vld.idx.msk [tilespmem:v1+s14+$0x0], $0xffff;
	s21 =	sadd.s32 $0x1FBD0, s22  }
0x5f: {  	v23 =	vld.idx.msk [tilespmem:v4+s13+$0x0], $0xffff;
	[tilespmem:s13], [sflag:$0x2] =	stream.linear.gather [hbm4b:s21+s2], $0x3E80, $0x38  }
0x60: {  	_ = 	snop  }
0x61: {  	[tilespmem:s14], [sflag:$0x4] =	stream.linear.gather [hbm4b:s3+s2], $0x4000, $0x38;
	[tilespmem:$0x10150] =	vst v63  }
0x62: {  	_ =	swait.ge [sflag:s15], $0x3E80  }
0x63: {  	[sflag:s15] =	ssyncset.done $0x0  }
0x64: {  	[sflag:s15] =	ssyncadd.s32 $0xFFFFC180  }
0x65: {  	_ =	swait.ge [sflag:s16], $0x4000  }
0x66: {  	[sflag:s16] =	ssyncset.done $0x0  }
0x67: {  	[sflag:s16] =	ssyncadd.s32 $0xFFFFC000  }
0x68: {  	v24 =	vld.idx.msk [tilespmem:v0+s11+$0x0], $0xffff  }
0x69: {  	v25 =	vld.idx.msk [tilespmem:v1+s12+$0x0], $0xffff  }
0x6a: {  	v26 =	vld.idx.msk [tilespmem:v2+s11+$0x0], $0xffff  }
0x6b: {  	v27 =	vld.idx.msk [tilespmem:v3+s12+$0x0], $0xffff  }
0x6c: {  	v28 =	vld.idx.msk [tilespmem:v4+s11+$0x0], $0xffff  }
0x6d: {  	v29 =	vld.idx.msk [tilespmem:v5+s12+$0x0], $0xffff  }
0x6e: {  	v30 =	vld.idx.msk [tilespmem:v6+s11+$0x0], $0xffff  }
0x6f: {  	v31 =	vld.idx.msk [tilespmem:v7+s12+$0x0], $0xffff;
	_ =	swait.ge [sflag:s17], $0x3E80  }
0x70: {  	[sflag:s17] =	ssyncset.done $0x0  }
0x71: {  	[sflag:s17] =	ssyncadd.s32 $0xFFFFC180  }
0x72: {  	_ =	swait.ge [sflag:s18], $0x4000  }
0x73: {  	[sflag:s18] =	ssyncset.done $0x0  }
0x74: {  	[sflag:s18] =	ssyncadd.s32 $0xFFFFC000  }
0x75: {  	v32 =	vld.idx.msk [tilespmem:v0+s13+$0x0], $0xffff  }
0x76: {  	v33 =	vld.idx.msk [tilespmem:v1+s14+$0x0], $0xffff  }
0x77: {  	v34 =	vld.idx.msk [tilespmem:v2+s13+$0x0], $0xffff  }
0x78: {  	v35 =	vld.idx.msk [tilespmem:v3+s14+$0x0], $0xffff  }
0x79: {  	v36 =	vld.idx.msk [tilespmem:v4+s13+$0x0], $0xffff  }
0x7a: {  	v8 =	vadd.f32 v13, v8;
	v11 =	vadd.f32 v15, v11;
	v51 =	vmul.f32 v18, v21;
	v52 =	vld.idx.msk [tilespmem:v5+s14+$0x0], $0xffff  }
0x7b: {  	v9 =	vadd.f32 v14, v9;
	v10 =	vadd.f32 v12, v10;
	v53 =	vmul.f32 v22, v16;
	v54 =	vld.idx.msk [tilespmem:v6+s13+$0x0], $0xffff  }
0x7c: {  	v17 =	vmul.f32 v17, v20;
	v55 =	vmul.f32 v19, v23;
	v11 =	vadd.f32 v51, v11;
	v56 =	vld.idx.msk [tilespmem:v7+s14+$0x0], $0xffff  }
0x7d: {  	v9 =	vadd.f32 v53, v9;
	v57 =	vmul.f32 v25, v24;
	v58 =	vmul.f32 v27, v26  }
0x7e: {  	v8 =	vadd.f32 v17, v8;
	v10 =	vadd.f32 v55, v10;
	v59 =	vmul.f32 v29, v28  }
0x7f: {  	v60 =	vmul.f32 v31, v30;
	v9 =	vadd.f32 v57, v9;
	v11 =	vadd.f32 v58, v11  }
0x80: {  	v10 =	vadd.f32 v59, v10;
	v61 =	vmul.f32 v33, v32;
	v62 =	vmul.f32 v35, v34  }
0x81: {  	v8 =	vadd.f32 v60, v8;
	v63 =	vmul.f32 v52, v36;
	v13 =	vmul.f32 v56, v54  }
0x82: {  	v9 =	vadd.f32 v61, v9;
	v11 =	vadd.f32 v62, v11  }
0x83: {  	v10 =	vadd.f32 v63, v10;
	v8 =	vadd.f32 v13, v8;
	_ =	sdelay $0x1  }
0x84: {  	v9 =	vadd.f32 v11, v9;
	v8 =	vadd.f32 v8, v10;
	_ =	sdelay $0x1  }
0x85: {  	s20 =	sadd.s32 $0x1, s20;
	v8 =	vadd.f32 v8, v9  }
0x86: {  	p0 =	sne.s32 s20, s8  }
.Ltmp1:
0x87: {  	[tilespmem:$0x10140] =	vst v8;
	(pc) =	sbr.rel @p0 .LBB2_1-.Ltmp1, $4  }
0x88: {  	[hbm4b:s7+s2] =	stream.linear.scatter [tilespmem:s19], [sflag:$0x5], $0x10, $0x38;
	[tilespmem:$0x10150] =	vst v63  }
0x89: {  	_ =	swait.ge [sflag:s10], $0x10  }
0x8a: {  	[sflag:s10] =	ssyncset.done $0x0  }
0x8b: {  	[sflag:s10] =	ssyncadd.s32 $0xFFFFFFF0  }
0x8c: {  	_ =	sfence.sel $0x180000  }
0x8d: {  	[bflag:$0x0] =	sbarrier.arrive $0xFFFF  }
0x8e: {  	p0 =	sne.s32 s0, $0x0;
	_ =	strace $0x90000047  }
0x8f: {  	s0 =	sadd.s32 @!p0 $0x100000, s1;
	[bflag:$0x2] =	sbarrier.arrive $0xFFFF  }
0x90: {  	[sflag:s0] =	ssyncadd.tile.s32 @!p0 $0x1;
	_ =	shalt  }
.Lfunc_end2:
_tile_overlayer_lowered:
.L_overlay_start_2:
0x91: {  	(tag) =	ssettag $0x2  }
0x92: {  	s0 =	rddreg [dreg:$0x0];
	s2 =	stileid.u32  }
0x93: {  	s1 =	rddreg [dreg:$0x1];
	p0 =	sne.s32 s2, $0x0  }
0x94: {  	s3 =	rddreg [dreg:$0x2];
	[bflag:$0x3] =	sbarrier.arrive $0xFFFF;
	s2 =	simm.s32 @!p0 $0x1C05  }
0x95: {  	[timem:s3], [sflag:s2] =	dma.local @!p0 [hbm:s0], s1  }
0x96: {  	s0 =	simm.s32 @!p0 $0x5  }
0x97: {  	_ =	swait.ge @!p0 [sflag:s0], s1  }
0x98: {  	s1 =	ssub.s32 @!p0 $0x0, s1;
	[sflag:s0] =	ssyncset.done @!p0 $0x0  }
0x99: {  	[sflag:s0] =	ssyncadd.s32 @!p0 s1  }
0x9a: {  	[bflag:$0x3] =	sbarrier.arrive $0xFFFF  }
0x9b: {  	_ =	shalt  }

</sc_bundles>
